<compile_context>
chip_gen: v7x
topology: tpu7x:2x2x1
jax: 0.10.2.dev20260603
libtpu: 0.0.44.dev20260713+nightly
codegen_flags: <defaults>
</compile_context>

<pallas_src>
import functools

import jax
import jax.numpy as jnp
from jax import lax
from jax.experimental import pallas as pl
from jax.experimental.pallas import tpu as pltpu
from jax.experimental.pallas import tpu_sc as plsc

B, L = 16384, 200
V, D = 1_000_000, 16
NC, NS = 2, 16
NW = NC * NS
IDX_PER_CHUNK = 12800
N_CHUNKS = B * L // NW // IDX_PER_CHUNK


_CB = 131072


def _tc_head_body(tt_ref, w_ref, b_ref, out_ref):
    s = jnp.dot(w_ref[...], tt_ref[...], preferred_element_type=jnp.float32)
    out_ref[...] = s[0] + b_ref[0, 0]


def _precompute_scores(table, W, b):
    tt = table.T
    wc = (W * (1.0 / L)).astype(jnp.float32)
    b2 = (b * (1.0 / L)).reshape(1, 1)
    return pl.pallas_call(
        _tc_head_body,
        grid=(pl.cdiv(V, _CB),),
        in_specs=[
            pl.BlockSpec((16, _CB), lambda i: (0, i)),
            pl.BlockSpec((1, 16), lambda i: (0, 0)),
            pl.BlockSpec((1, 1), lambda i: (0, 0), memory_space=pltpu.SMEM),
        ],
        out_specs=pl.BlockSpec((_CB,), lambda i: (i,)),
        out_shape=jax.ShapeDtypeStruct((V,), jnp.float32),
    )(tt, wc, b2)


def _sc_body(t_hbm, xf_hbm, g_hbm, t_sp, idx_v, vals_v, sem_g, sem_w):
    sid = lax.axis_index("s")
    wid = sid * NC + lax.axis_index("c")
    w_base = wid * (N_CHUNKS * IDX_PER_CHUNK)

    _SB = 10000
    _NB = V // _SB
    n_mine = -(-_NB // NS)

    def _wait_out(k):
        pltpu.make_async_copy(
            t_hbm.at[pl.ds(0, _SB)], vals_v[k % 2].at[pl.ds(0, _SB)],
            sem_w[k % 2],
        ).wait()

    for k in range(n_mine):
        blk = k * NS + sid

        @pl.when(blk < _NB)
        def _(blk=blk, k=k):
            if k >= 2:
                _wait_out(k - 2)
            pltpu.async_copy(
                t_hbm.at[pl.ds(blk * _SB, _SB)],
                vals_v[k % 2].at[pl.ds(0, _SB)],
                sem_g[k % 2],
            ).wait()
            pltpu.async_copy(
                vals_v[k % 2].at[pl.ds(0, _SB)],
                t_sp.at[pl.ds(blk * _SB, _SB)],
                sem_w[k % 2],
            )

    for k in range(max(0, n_mine - 2), n_mine):
        blk = k * NS + sid

        @pl.when(blk < _NB)
        def _(blk=blk, k=k):
            _wait_out(k)

    plsc.subcore_barrier()

    def stage(c):
        pltpu.sync_copy(
            xf_hbm.at[pl.ds(w_base + c * IDX_PER_CHUNK, IDX_PER_CHUNK)],
            idx_v[c % 2],
        )
        return pltpu.async_copy(t_sp.at[idx_v[c % 2]], vals_v[c % 2], sem_g[c % 2])

    def write(c):
        return pltpu.async_copy(
            vals_v[c % 2],
            g_hbm.at[pl.ds(w_base + c * IDX_PER_CHUNK, IDX_PER_CHUNK)],
            sem_w[c % 2],
        )

    wr = [None, None]
    cp = stage(0)
    for c in range(N_CHUNKS):
        if c + 1 < N_CHUNKS:
            if wr[(c + 1) % 2] is not None:
                wr[(c + 1) % 2].wait()
                wr[(c + 1) % 2] = None
            nxt = stage(c + 1)
        else:
            nxt = None
        cp.wait()
        cp = nxt
        wr[c % 2] = write(c)
    for w in wr:
        if w is not None:
            w.wait()


@functools.partial(
    pl.kernel,
    out_type=jax.ShapeDtypeStruct((B * L,), jnp.float32),
    mesh=plsc.VectorSubcoreMesh(
        core_axis_name="c", subcore_axis_name="s", num_cores=NC, num_subcores=NS
    ),
    scratch_types=[
        pltpu.VMEM_SHARED((V,), jnp.float32),
        [pltpu.VMEM((IDX_PER_CHUNK,), jnp.int32) for _ in range(2)],
        [pltpu.VMEM((IDX_PER_CHUNK,), jnp.float32) for _ in range(2)],
        [pltpu.SemaphoreType.DMA for _ in range(2)],
        [pltpu.SemaphoreType.DMA for _ in range(2)],
    ],
)
def _sc_gather(t_hbm, xf_hbm, g_hbm, t_sp, idx_v, vals_v, sem_g, sem_w):
    _sc_body(t_hbm, xf_hbm, g_hbm, t_sp, idx_v, vals_v, sem_g, sem_w)


_SLAB = 25
_NG = L // _SLAB


def _tc_pool_body(g_ref, out_ref):
    i = pl.program_id(0)
    part = jnp.sum(g_ref[...].reshape(_SLAB, B), axis=0)

    @pl.when(i == 0)
    def _():
        out_ref[...] = part

    @pl.when(i > 0)
    def _():
        out_ref[...] = out_ref[...] + part

    @pl.when(i == _NG - 1)
    def _():
        s = out_ref[...]
        y = 1.0 / (1.0 + jnp.exp(-s))
        out_ref[...] = jnp.round(y * 10000.0) / 10000.0


def _pool_scores(g):
    return pl.pallas_call(
        _tc_pool_body,
        grid=(_NG,),
        in_specs=[pl.BlockSpec((_SLAB * B,), lambda i: (i,))],
        out_specs=pl.BlockSpec((B,), lambda i: (0,)),
        out_shape=jax.ShapeDtypeStruct((B,), jnp.float32),
    )(g)


def kernel(x, table, W, b):
    t = _precompute_scores(table, W, b)
    xf = x.T.astype(jnp.int32).reshape(B * L)
    g = _sc_gather(t, xf)
    out = _pool_scores(g)
    return out.reshape(B, 1)

# --- scband reference (transcript-rebuilt; emitter-appended) ---
"""Pipeline reference for scband-solution-51582557225641 (READ-ONLY COPY).

The authoritative reference and input builder live on the scoring server;
editing this copy changes nothing except your own understanding.
"""

import jax, jax.numpy as jnp
import numpy as np


def setup_inputs(seed: int = 0) -> dict:
    key = jax.random.key(seed)
    k1, k2, k3, k4 = jax.random.split(key, 4)
    x = jax.random.randint(k1, (16384, 200), 0, 1000000, dtype=jnp.int64) if jax.config.jax_enable_x64 else jax.random.randint(k1, (16384, 200), 0, 1000000, dtype=jnp.int32)
    table = jax.random.normal(k2, (1000000, 16), dtype=jnp.float32)
    W = jax.random.normal(k3, (1, 16), dtype=jnp.float32) * 0.25
    b = jax.random.normal(k4, (1,), dtype=jnp.float32) * 0.25
    return {"x": x, "table": table, "W": W, "b": b}


def reference(x, table, W, b):
    # embedding lookup: gather rows of table by indices
    embed = jnp.take(table, x, axis=0)          # [B, L, 16]
    embed = embed.mean(axis=1)                   # [B, 16]
    logit = embed @ W.T + b                      # [B, 1]
    output = jax.nn.sigmoid(logit)
    return jnp.round(output * 10000.0) / 10000.0

if __name__ == "__main__":
    import jax
    _d = setup_inputs()
    print(jax.jit(kernel)(*tuple(_d.values())))

</pallas_src>

<mosaic_0001>
#map = affine_map<(d0, d1) -> (0)>
module attributes {stable_mosaic.version = 14 : i64} {
  func.func @_sc_gather(%arg0: i32, %arg1: i32, %arg2: memref<1000000xf32, #tpu.memory_space<hbm>>, %arg3: memref<3276800xi32, #tpu.memory_space<hbm>>, %arg4: memref<3276800xf32, #tpu.memory_space<hbm>>, %arg5: memref<1000000xf32, #tpu.memory_space<vmem_shared>>, %arg6: memref<12800xi32, #tpu.memory_space<vmem>>, %arg7: memref<12800xi32, #tpu.memory_space<vmem>>, %arg8: memref<12800xf32, #tpu.memory_space<vmem>>, %arg9: memref<12800xf32, #tpu.memory_space<vmem>>, %arg10: memref<!tpu.dma_semaphore, #tpu.memory_space<semaphore_mem>>, %arg11: memref<!tpu.dma_semaphore, #tpu.memory_space<semaphore_mem>>, %arg12: memref<!tpu.dma_semaphore, #tpu.memory_space<semaphore_mem>>, %arg13: memref<!tpu.dma_semaphore, #tpu.memory_space<semaphore_mem>>) attributes {dimension_semantics = [#tpu.dimension_semantics<core_parallel>, #tpu.dimension_semantics<subcore_parallel>], iteration_bounds = array<i64: 2, 16>, scalar_prefetch = 0 : i64, scratch_operands = 9 : i64, tpu.core_type = #tpu.core_type<sc_vector_subcore>, window_params = [{transform_indices = #map}, {transform_indices = #map}, {transform_indices = #map}]} {
    %mul3A = arith.constant 2 : i32
    %mul3A_0 = arith.muli %arg1, %mul3A : i32
    %add3A = arith.addi %mul3A_0, %arg0 : i32
    %mul3A_1 = arith.constant 102400 : i32
    %mul3A_2 = arith.muli %add3A, %mul3A_1 : i32
    %add3A_3 = arith.constant 0 : i32
    %add3A_4 = arith.addi %add3A_3, %arg1 : i32
    %lt3A = arith.constant 100 : i32
    %lt3A_5 = arith.cmpi slt, %add3A_4, %lt3A : i32
    %convert_element_type3A = arith.extui %lt3A_5 : i1 to i32
    %cond3A = arith.constant 0 : i32
    %cond3A_6 = arith.cmpi ne, %convert_element_type3A, %cond3A : i32
    scf.if %cond3A_6 {
      %mul3A_157 = arith.constant 10000 : i32
      %mul3A_158 = arith.muli %add3A_4, %mul3A_157 : i32
      %dma_start3A_159 = arith.constant 0 : i32
      %dma_start3A_160 = tpu.memref_slice %arg8[%dma_start3A_159] : memref<12800xf32, #tpu.memory_space<vmem>> -> memref<10000xf32, #tpu.memory_space<vmem>>
      %dma_start3A_161 = tpu.memref_slice %arg2[%mul3A_158] : memref<1000000xf32, #tpu.memory_space<hbm>> -> memref<10000xf32, #tpu.memory_space<hbm>>
      %dma_start3A_162 = arith.constant 0 : i32
      %dma_start3A_163 = tpu.memref_slice %arg8[%dma_start3A_162] : memref<12800xf32, #tpu.memory_space<vmem>> -> memref<10000xf32, #tpu.memory_space<vmem>>
      %dma_start3A_164 = tpu.memref_slice %arg2[%mul3A_158] : memref<1000000xf32, #tpu.memory_space<hbm>> -> memref<10000xf32, #tpu.memory_space<hbm>>
      tpu.enqueue_dma source(%dma_start3A_164 : memref<10000xf32, #tpu.memory_space<hbm>>) target(%dma_start3A_163 : memref<10000xf32, #tpu.memory_space<vmem>>) target_semaphore(%arg10 : memref<!tpu.dma_semaphore, #tpu.memory_space<semaphore_mem>>)
      %dma_wait3A_165 = arith.constant 0 : i32
      %dma_wait3A_166 = tpu.memref_slice %arg8[%dma_wait3A_165] : memref<12800xf32, #tpu.memory_space<vmem>> -> memref<10000xf32, #tpu.memory_space<vmem>>
      %dma_wait3A_167 = tpu.memref_slice %arg2[%mul3A_158] : memref<1000000xf32, #tpu.memory_space<hbm>> -> memref<10000xf32, #tpu.memory_space<hbm>>
      %dma_wait3A_168 = arith.constant 0 : i32
      %dma_wait3A_169 = tpu.memref_slice %arg8[%dma_wait3A_168] : memref<12800xf32, #tpu.memory_space<vmem>> -> memref<10000xf32, #tpu.memory_space<vmem>>
      %dma_wait3A_170 = tpu.memref_slice %arg2[%mul3A_158] : memref<1000000xf32, #tpu.memory_space<hbm>> -> memref<10000xf32, #tpu.memory_space<hbm>>
      tpu.wait_dma2 semaphore(%arg10 : memref<!tpu.dma_semaphore, #tpu.memory_space<semaphore_mem>>) src(%dma_wait3A_170 : memref<10000xf32, #tpu.memory_space<hbm>>) dst(%dma_wait3A_169 : memref<10000xf32, #tpu.memory_space<vmem>>)
      %mul3A_171 = arith.constant 10000 : i32
      %mul3A_172 = arith.muli %add3A_4, %mul3A_171 : i32
      %dma_start3A_173 = arith.constant 0 : i32
      %dma_start3A_174 = tpu.memref_slice %arg8[%dma_start3A_173] : memref<12800xf32, #tpu.memory_space<vmem>> -> memref<10000xf32, #tpu.memory_space<vmem>>
      %dma_start3A_175 = tpu.memref_slice %arg5[%mul3A_172] : memref<1000000xf32, #tpu.memory_space<vmem_shared>> -> memref<10000xf32, #tpu.memory_space<vmem_shared>>
      %dma_start3A_176 = tpu.memref_slice %arg5[%mul3A_172] : memref<1000000xf32, #tpu.memory_space<vmem_shared>> -> memref<10000xf32, #tpu.memory_space<vmem_shared>>
      %dma_start3A_177 = arith.constant 0 : i32
      %dma_start3A_178 = tpu.memref_slice %arg8[%dma_start3A_177] : memref<12800xf32, #tpu.memory_space<vmem>> -> memref<10000xf32, #tpu.memory_space<vmem>>
      tpu.enqueue_dma source(%dma_start3A_178 : memref<10000xf32, #tpu.memory_space<vmem>>) target(%dma_start3A_176 : memref<10000xf32, #tpu.memory_space<vmem_shared>>) target_semaphore(%arg12 : memref<!tpu.dma_semaphore, #tpu.memory_space<semaphore_mem>>)
    } else {
    }
    %add3A_7 = arith.constant 16 : i32
    %add3A_8 = arith.addi %add3A_7, %arg1 : i32
    %lt3A_9 = arith.constant 100 : i32
    %lt3A_10 = arith.cmpi slt, %add3A_8, %lt3A_9 : i32
    %convert_element_type3A_11 = arith.extui %lt3A_10 : i1 to i32
    %cond3A_12 = arith.constant 0 : i32
    %cond3A_13 = arith.cmpi ne, %convert_element_type3A_11, %cond3A_12 : i32
    scf.if %cond3A_13 {
      %mul3A_157 = arith.constant 10000 : i32
      %mul3A_158 = arith.muli %add3A_8, %mul3A_157 : i32
      %dma_start3A_159 = arith.constant 0 : i32
      %dma_start3A_160 = tpu.memref_slice %arg9[%dma_start3A_159] : memref<12800xf32, #tpu.memory_space<vmem>> -> memref<10000xf32, #tpu.memory_space<vmem>>
      %dma_start3A_161 = tpu.memref_slice %arg2[%mul3A_158] : memref<1000000xf32, #tpu.memory_space<hbm>> -> memref<10000xf32, #tpu.memory_space<hbm>>
      %dma_start3A_162 = arith.constant 0 : i32
      %dma_start3A_163 = tpu.memref_slice %arg9[%dma_start3A_162] : memref<12800xf32, #tpu.memory_space<vmem>> -> memref<10000xf32, #tpu.memory_space<vmem>>
      %dma_start3A_164 = tpu.memref_slice %arg2[%mul3A_158] : memref<1000000xf32, #tpu.memory_space<hbm>> -> memref<10000xf32, #tpu.memory_space<hbm>>
      tpu.enqueue_dma source(%dma_start3A_164 : memref<10000xf32, #tpu.memory_space<hbm>>) target(%dma_start3A_163 : memref<10000xf32, #tpu.memory_space<vmem>>) target_semaphore(%arg11 : memref<!tpu.dma_semaphore, #tpu.memory_space<semaphore_mem>>)
      %dma_wait3A_165 = arith.constant 0 : i32
      %dma_wait3A_166 = tpu.memref_slice %arg9[%dma_wait3A_165] : memref<12800xf32, #tpu.memory_space<vmem>> -> memref<10000xf32, #tpu.memory_space<vmem>>
      %dma_wait3A_167 = tpu.memref_slice %arg2[%mul3A_158] : memref<1000000xf32, #tpu.memory_space<hbm>> -> memref<10000xf32, #tpu.memory_space<hbm>>
      %dma_wait3A_168 = arith.constant 0 : i32
      %dma_wait3A_169 = tpu.memref_slice %arg9[%dma_wait3A_168] : memref<12800xf32, #tpu.memory_space<vmem>> -> memref<10000xf32, #tpu.memory_space<vmem>>
      %dma_wait3A_170 = tpu.memref_slice %arg2[%mul3A_158] : memref<1000000xf32, #tpu.memory_space<hbm>> -> memref<10000xf32, #tpu.memory_space<hbm>>
      tpu.wait_dma2 semaphore(%arg11 : memref<!tpu.dma_semaphore, #tpu.memory_space<semaphore_mem>>) src(%dma_wait3A_170 : memref<10000xf32, #tpu.memory_space<hbm>>) dst(%dma_wait3A_169 : memref<10000xf32, #tpu.memory_space<vmem>>)
      %mul3A_171 = arith.constant 10000 : i32
      %mul3A_172 = arith.muli %add3A_8, %mul3A_171 : i32
      %dma_start3A_173 = arith.constant 0 : i32
      %dma_start3A_174 = tpu.memref_slice %arg9[%dma_start3A_173] : memref<12800xf32, #tpu.memory_space<vmem>> -> memref<10000xf32, #tpu.memory_space<vmem>>
      %dma_start3A_175 = tpu.memref_slice %arg5[%mul3A_172] : memref<1000000xf32, #tpu.memory_space<vmem_shared>> -> memref<10000xf32, #tpu.memory_space<vmem_shared>>
      %dma_start3A_176 = tpu.memref_slice %arg5[%mul3A_172] : memref<1000000xf32, #tpu.memory_space<vmem_shared>> -> memref<10000xf32, #tpu.memory_space<vmem_shared>>
      %dma_start3A_177 = arith.constant 0 : i32
      %dma_start3A_178 = tpu.memref_slice %arg9[%dma_start3A_177] : memref<12800xf32, #tpu.memory_space<vmem>> -> memref<10000xf32, #tpu.memory_space<vmem>>
      tpu.enqueue_dma source(%dma_start3A_178 : memref<10000xf32, #tpu.memory_space<vmem>>) target(%dma_start3A_176 : memref<10000xf32, #tpu.memory_space<vmem_shared>>) target_semaphore(%arg13 : memref<!tpu.dma_semaphore, #tpu.memory_space<semaphore_mem>>)
    } else {
    }
    %add3A_14 = arith.constant 32 : i32
    %add3A_15 = arith.addi %add3A_14, %arg1 : i32
    %lt3A_16 = arith.constant 100 : i32
    %lt3A_17 = arith.cmpi slt, %add3A_15, %lt3A_16 : i32
    %convert_element_type3A_18 = arith.extui %lt3A_17 : i1 to i32
    %cond3A_19 = arith.constant 0 : i32
    %cond3A_20 = arith.cmpi ne, %convert_element_type3A_18, %cond3A_19 : i32
    scf.if %cond3A_20 {
      %dma_wait3A_157 = arith.constant 0 : i32
      %dma_wait3A_158 = tpu.memref_slice %arg8[%dma_wait3A_157] : memref<12800xf32, #tpu.memory_space<vmem>> -> memref<10000xf32, #tpu.memory_space<vmem>>
      %dma_wait3A_159 = arith.constant 0 : i32
      %dma_wait3A_160 = tpu.memref_slice %arg2[%dma_wait3A_159] : memref<1000000xf32, #tpu.memory_space<hbm>> -> memref<10000xf32, #tpu.memory_space<hbm>>
      %dma_wait3A_161 = arith.constant 0 : i32
      %dma_wait3A_162 = tpu.memref_slice %arg8[%dma_wait3A_161] : memref<12800xf32, #tpu.memory_space<vmem>> -> memref<10000xf32, #tpu.memory_space<vmem>>
      %dma_wait3A_163 = arith.constant 0 : i32
      %dma_wait3A_164 = tpu.memref_slice %arg2[%dma_wait3A_163] : memref<1000000xf32, #tpu.memory_space<hbm>> -> memref<10000xf32, #tpu.memory_space<hbm>>
      tpu.wait_dma2 semaphore(%arg12 : memref<!tpu.dma_semaphore, #tpu.memory_space<semaphore_mem>>) src(%dma_wait3A_164 : memref<10000xf32, #tpu.memory_space<hbm>>) dst(%dma_wait3A_162 : memref<10000xf32, #tpu.memory_space<vmem>>)
      %mul3A_165 = arith.constant 10000 : i32
      %mul3A_166 = arith.muli %add3A_15, %mul3A_165 : i32
      %dma_start3A_167 = arith.constant 0 : i32
      %dma_start3A_168 = tpu.memref_slice %arg8[%dma_start3A_167] : memref<12800xf32, #tpu.memory_space<vmem>> -> memref<10000xf32, #tpu.memory_space<vmem>>
      %dma_start3A_169 = tpu.memref_slice %arg2[%mul3A_166] : memref<1000000xf32, #tpu.memory_space<hbm>> -> memref<10000xf32, #tpu.memory_space<hbm>>
      %dma_start3A_170 = arith.constant 0 : i32
      %dma_start3A_171 = tpu.memref_slice %arg8[%dma_start3A_170] : memref<12800xf32, #tpu.memory_space<vmem>> -> memref<10000xf32, #tpu.memory_space<vmem>>
      %dma_start3A_172 = tpu.memref_slice %arg2[%mul3A_166] : memref<1000000xf32, #tpu.memory_space<hbm>> -> memref<10000xf32, #tpu.memory_space<hbm>>
      tpu.enqueue_dma source(%dma_start3A_172 : memref<10000xf32, #tpu.memory_space<hbm>>) target(%dma_start3A_171 : memref<10000xf32, #tpu.memory_space<vmem>>) target_semaphore(%arg10 : memref<!tpu.dma_semaphore, #tpu.memory_space<semaphore_mem>>)
      %dma_wait3A_173 = arith.constant 0 : i32
      %dma_wait3A_174 = tpu.memref_slice %arg8[%dma_wait3A_173] : memref<12800xf32, #tpu.memory_space<vmem>> -> memref<10000xf32, #tpu.memory_space<vmem>>
      %dma_wait3A_175 = tpu.memref_slice %arg2[%mul3A_166] : memref<1000000xf32, #tpu.memory_space<hbm>> -> memref<10000xf32, #tpu.memory_space<hbm>>
      %dma_wait3A_176 = arith.constant 0 : i32
      %dma_wait3A_177 = tpu.memref_slice %arg8[%dma_wait3A_176] : memref<12800xf32, #tpu.memory_space<vmem>> -> memref<10000xf32, #tpu.memory_space<vmem>>
      %dma_wait3A_178 = tpu.memref_slice %arg2[%mul3A_166] : memref<1000000xf32, #tpu.memory_space<hbm>> -> memref<10000xf32, #tpu.memory_space<hbm>>
      tpu.wait_dma2 semaphore(%arg10 : memref<!tpu.dma_semaphore, #tpu.memory_space<semaphore_mem>>) src(%dma_wait3A_178 : memref<10000xf32, #tpu.memory_space<hbm>>) dst(%dma_wait3A_177 : memref<10000xf32, #tpu.memory_space<vmem>>)
      %mul3A_179 = arith.constant 10000 : i32
      %mul3A_180 = arith.muli %add3A_15, %mul3A_179 : i32
      %dma_start3A_181 = arith.constant 0 : i32
      %dma_start3A_182 = tpu.memref_slice %arg8[%dma_start3A_181] : memref<12800xf32, #tpu.memory_space<vmem>> -> memref<10000xf32, #tpu.memory_space<vmem>>
      %dma_start3A_183 = tpu.memref_slice %arg5[%mul3A_180] : memref<1000000xf32, #tpu.memory_space<vmem_shared>> -> memref<10000xf32, #tpu.memory_space<vmem_shared>>
      %dma_start3A_184 = tpu.memref_slice %arg5[%mul3A_180] : memref<1000000xf32, #tpu.memory_space<vmem_shared>> -> memref<10000xf32, #tpu.memory_space<vmem_shared>>
      %dma_start3A_185 = arith.constant 0 : i32
      %dma_start3A_186 = tpu.memref_slice %arg8[%dma_start3A_185] : memref<12800xf32, #tpu.memory_space<vmem>> -> memref<10000xf32, #tpu.memory_space<vmem>>
      tpu.enqueue_dma source(%dma_start3A_186 : memref<10000xf32, #tpu.memory_space<vmem>>) target(%dma_start3A_184 : memref<10000xf32, #tpu.memory_space<vmem_shared>>) target_semaphore(%arg12 : memref<!tpu.dma_semaphore, #tpu.memory_space<semaphore_mem>>)
    } else {
    }
    %add3A_21 = arith.constant 48 : i32
    %add3A_22 = arith.addi %add3A_21, %arg1 : i32
    %lt3A_23 = arith.constant 100 : i32
    %lt3A_24 = arith.cmpi slt, %add3A_22, %lt3A_23 : i32
    %convert_element_type3A_25 = arith.extui %lt3A_24 : i1 to i32
    %cond3A_26 = arith.constant 0 : i32
    %cond3A_27 = arith.cmpi ne, %convert_element_type3A_25, %cond3A_26 : i32
    scf.if %cond3A_27 {
      %dma_wait3A_157 = arith.constant 0 : i32
      %dma_wait3A_158 = tpu.memref_slice %arg9[%dma_wait3A_157] : memref<12800xf32, #tpu.memory_space<vmem>> -> memref<10000xf32, #tpu.memory_space<vmem>>
      %dma_wait3A_159 = arith.constant 0 : i32
      %dma_wait3A_160 = tpu.memref_slice %arg2[%dma_wait3A_159] : memref<1000000xf32, #tpu.memory_space<hbm>> -> memref<10000xf32, #tpu.memory_space<hbm>>
      %dma_wait3A_161 = arith.constant 0 : i32
      %dma_wait3A_162 = tpu.memref_slice %arg9[%dma_wait3A_161] : memref<12800xf32, #tpu.memory_space<vmem>> -> memref<10000xf32, #tpu.memory_space<vmem>>
      %dma_wait3A_163 = arith.constant 0 : i32
      %dma_wait3A_164 = tpu.memref_slice %arg2[%dma_wait3A_163] : memref<1000000xf32, #tpu.memory_space<hbm>> -> memref<10000xf32, #tpu.memory_space<hbm>>
      tpu.wait_dma2 semaphore(%arg13 : memref<!tpu.dma_semaphore, #tpu.memory_space<semaphore_mem>>) src(%dma_wait3A_164 : memref<10000xf32, #tpu.memory_space<hbm>>) dst(%dma_wait3A_162 : memref<10000xf32, #tpu.memory_space<vmem>>)
      %mul3A_165 = arith.constant 10000 : i32
      %mul3A_166 = arith.muli %add3A_22, %mul3A_165 : i32
      %dma_start3A_167 = arith.constant 0 : i32
      %dma_start3A_168 = tpu.memref_slice %arg9[%dma_start3A_167] : memref<12800xf32, #tpu.memory_space<vmem>> -> memref<10000xf32, #tpu.memory_space<vmem>>
      %dma_start3A_169 = tpu.memref_slice %arg2[%mul3A_166] : memref<1000000xf32, #tpu.memory_space<hbm>> -> memref<10000xf32, #tpu.memory_space<hbm>>
      %dma_start3A_170 = arith.constant 0 : i32
      %dma_start3A_171 = tpu.memref_slice %arg9[%dma_start3A_170] : memref<12800xf32, #tpu.memory_space<vmem>> -> memref<10000xf32, #tpu.memory_space<vmem>>
      %dma_start3A_172 = tpu.memref_slice %arg2[%mul3A_166] : memref<1000000xf32, #tpu.memory_space<hbm>> -> memref<10000xf32, #tpu.memory_space<hbm>>
      tpu.enqueue_dma source(%dma_start3A_172 : memref<10000xf32, #tpu.memory_space<hbm>>) target(%dma_start3A_171 : memref<10000xf32, #tpu.memory_space<vmem>>) target_semaphore(%arg11 : memref<!tpu.dma_semaphore, #tpu.memory_space<semaphore_mem>>)
      %dma_wait3A_173 = arith.constant 0 : i32
      %dma_wait3A_174 = tpu.memref_slice %arg9[%dma_wait3A_173] : memref<12800xf32, #tpu.memory_space<vmem>> -> memref<10000xf32, #tpu.memory_space<vmem>>
      %dma_wait3A_175 = tpu.memref_slice %arg2[%mul3A_166] : memref<1000000xf32, #tpu.memory_space<hbm>> -> memref<10000xf32, #tpu.memory_space<hbm>>
      %dma_wait3A_176 = arith.constant 0 : i32
      %dma_wait3A_177 = tpu.memref_slice %arg9[%dma_wait3A_176] : memref<12800xf32, #tpu.memory_space<vmem>> -> memref<10000xf32, #tpu.memory_space<vmem>>
      %dma_wait3A_178 = tpu.memref_slice %arg2[%mul3A_166] : memref<1000000xf32, #tpu.memory_space<hbm>> -> memref<10000xf32, #tpu.memory_space<hbm>>
      tpu.wait_dma2 semaphore(%arg11 : memref<!tpu.dma_semaphore, #tpu.memory_space<semaphore_mem>>) src(%dma_wait3A_178 : memref<10000xf32, #tpu.memory_space<hbm>>) dst(%dma_wait3A_177 : memref<10000xf32, #tpu.memory_space<vmem>>)
      %mul3A_179 = arith.constant 10000 : i32
      %mul3A_180 = arith.muli %add3A_22, %mul3A_179 : i32
      %dma_start3A_181 = arith.constant 0 : i32
      %dma_start3A_182 = tpu.memref_slice %arg9[%dma_start3A_181] : memref<12800xf32, #tpu.memory_space<vmem>> -> memref<10000xf32, #tpu.memory_space<vmem>>
      %dma_start3A_183 = tpu.memref_slice %arg5[%mul3A_180] : memref<1000000xf32, #tpu.memory_space<vmem_shared>> -> memref<10000xf32, #tpu.memory_space<vmem_shared>>
      %dma_start3A_184 = tpu.memref_slice %arg5[%mul3A_180] : memref<1000000xf32, #tpu.memory_space<vmem_shared>> -> memref<10000xf32, #tpu.memory_space<vmem_shared>>
      %dma_start3A_185 = arith.constant 0 : i32
      %dma_start3A_186 = tpu.memref_slice %arg9[%dma_start3A_185] : memref<12800xf32, #tpu.memory_space<vmem>> -> memref<10000xf32, #tpu.memory_space<vmem>>
      tpu.enqueue_dma source(%dma_start3A_186 : memref<10000xf32, #tpu.memory_space<vmem>>) target(%dma_start3A_184 : memref<10000xf32, #tpu.memory_space<vmem_shared>>) target_semaphore(%arg13 : memref<!tpu.dma_semaphore, #tpu.memory_space<semaphore_mem>>)
    } else {
    }
    %add3A_28 = arith.constant 64 : i32
    %add3A_29 = arith.addi %add3A_28, %arg1 : i32
    %lt3A_30 = arith.constant 100 : i32
    %lt3A_31 = arith.cmpi slt, %add3A_29, %lt3A_30 : i32
    %convert_element_type3A_32 = arith.extui %lt3A_31 : i1 to i32
    %cond3A_33 = arith.constant 0 : i32
    %cond3A_34 = arith.cmpi ne, %convert_element_type3A_32, %cond3A_33 : i32
    scf.if %cond3A_34 {
      %dma_wait3A_157 = arith.constant 0 : i32
      %dma_wait3A_158 = tpu.memref_slice %arg8[%dma_wait3A_157] : memref<12800xf32, #tpu.memory_space<vmem>> -> memref<10000xf32, #tpu.memory_space<vmem>>
      %dma_wait3A_159 = arith.constant 0 : i32
      %dma_wait3A_160 = tpu.memref_slice %arg2[%dma_wait3A_159] : memref<1000000xf32, #tpu.memory_space<hbm>> -> memref<10000xf32, #tpu.memory_space<hbm>>
      %dma_wait3A_161 = arith.constant 0 : i32
      %dma_wait3A_162 = tpu.memref_slice %arg8[%dma_wait3A_161] : memref<12800xf32, #tpu.memory_space<vmem>> -> memref<10000xf32, #tpu.memory_space<vmem>>
      %dma_wait3A_163 = arith.constant 0 : i32
      %dma_wait3A_164 = tpu.memref_slice %arg2[%dma_wait3A_163] : memref<1000000xf32, #tpu.memory_space<hbm>> -> memref<10000xf32, #tpu.memory_space<hbm>>
      tpu.wait_dma2 semaphore(%arg12 : memref<!tpu.dma_semaphore, #tpu.memory_space<semaphore_mem>>) src(%dma_wait3A_164 : memref<10000xf32, #tpu.memory_space<hbm>>) dst(%dma_wait3A_162 : memref<10000xf32, #tpu.memory_space<vmem>>)
      %mul3A_165 = arith.constant 10000 : i32
      %mul3A_166 = arith.muli %add3A_29, %mul3A_165 : i32
      %dma_start3A_167 = arith.constant 0 : i32
      %dma_start3A_168 = tpu.memref_slice %arg8[%dma_start3A_167] : memref<12800xf32, #tpu.memory_space<vmem>> -> memref<10000xf32, #tpu.memory_space<vmem>>
      %dma_start3A_169 = tpu.memref_slice %arg2[%mul3A_166] : memref<1000000xf32, #tpu.memory_space<hbm>> -> memref<10000xf32, #tpu.memory_space<hbm>>
      %dma_start3A_170 = arith.constant 0 : i32
      %dma_start3A_171 = tpu.memref_slice %arg8[%dma_start3A_170] : memref<12800xf32, #tpu.memory_space<vmem>> -> memref<10000xf32, #tpu.memory_space<vmem>>
      %dma_start3A_172 = tpu.memref_slice %arg2[%mul3A_166] : memref<1000000xf32, #tpu.memory_space<hbm>> -> memref<10000xf32, #tpu.memory_space<hbm>>
      tpu.enqueue_dma source(%dma_start3A_172 : memref<10000xf32, #tpu.memory_space<hbm>>) target(%dma_start3A_171 : memref<10000xf32, #tpu.memory_space<vmem>>) target_semaphore(%arg10 : memref<!tpu.dma_semaphore, #tpu.memory_space<semaphore_mem>>)
      %dma_wait3A_173 = arith.constant 0 : i32
      %dma_wait3A_174 = tpu.memref_slice %arg8[%dma_wait3A_173] : memref<12800xf32, #tpu.memory_space<vmem>> -> memref<10000xf32, #tpu.memory_space<vmem>>
      %dma_wait3A_175 = tpu.memref_slice %arg2[%mul3A_166] : memref<1000000xf32, #tpu.memory_space<hbm>> -> memref<10000xf32, #tpu.memory_space<hbm>>
      %dma_wait3A_176 = arith.constant 0 : i32
      %dma_wait3A_177 = tpu.memref_slice %arg8[%dma_wait3A_176] : memref<12800xf32, #tpu.memory_space<vmem>> -> memref<10000xf32, #tpu.memory_space<vmem>>
      %dma_wait3A_178 = tpu.memref_slice %arg2[%mul3A_166] : memref<1000000xf32, #tpu.memory_space<hbm>> -> memref<10000xf32, #tpu.memory_space<hbm>>
      tpu.wait_dma2 semaphore(%arg10 : memref<!tpu.dma_semaphore, #tpu.memory_space<semaphore_mem>>) src(%dma_wait3A_178 : memref<10000xf32, #tpu.memory_space<hbm>>) dst(%dma_wait3A_177 : memref<10000xf32, #tpu.memory_space<vmem>>)
      %mul3A_179 = arith.constant 10000 : i32
      %mul3A_180 = arith.muli %add3A_29, %mul3A_179 : i32
      %dma_start3A_181 = arith.constant 0 : i32
      %dma_start3A_182 = tpu.memref_slice %arg8[%dma_start3A_181] : memref<12800xf32, #tpu.memory_space<vmem>> -> memref<10000xf32, #tpu.memory_space<vmem>>
      %dma_start3A_183 = tpu.memref_slice %arg5[%mul3A_180] : memref<1000000xf32, #tpu.memory_space<vmem_shared>> -> memref<10000xf32, #tpu.memory_space<vmem_shared>>
      %dma_start3A_184 = tpu.memref_slice %arg5[%mul3A_180] : memref<1000000xf32, #tpu.memory_space<vmem_shared>> -> memref<10000xf32, #tpu.memory_space<vmem_shared>>
      %dma_start3A_185 = arith.constant 0 : i32
      %dma_start3A_186 = tpu.memref_slice %arg8[%dma_start3A_185] : memref<12800xf32, #tpu.memory_space<vmem>> -> memref<10000xf32, #tpu.memory_space<vmem>>
      tpu.enqueue_dma source(%dma_start3A_186 : memref<10000xf32, #tpu.memory_space<vmem>>) target(%dma_start3A_184 : memref<10000xf32, #tpu.memory_space<vmem_shared>>) target_semaphore(%arg12 : memref<!tpu.dma_semaphore, #tpu.memory_space<semaphore_mem>>)
    } else {
    }
    %add3A_35 = arith.constant 80 : i32
    %add3A_36 = arith.addi %add3A_35, %arg1 : i32
    %lt3A_37 = arith.constant 100 : i32
    %lt3A_38 = arith.cmpi slt, %add3A_36, %lt3A_37 : i32
    %convert_element_type3A_39 = arith.extui %lt3A_38 : i1 to i32
    %cond3A_40 = arith.constant 0 : i32
    %cond3A_41 = arith.cmpi ne, %convert_element_type3A_39, %cond3A_40 : i32
    scf.if %cond3A_41 {
      %dma_wait3A_157 = arith.constant 0 : i32
      %dma_wait3A_158 = tpu.memref_slice %arg9[%dma_wait3A_157] : memref<12800xf32, #tpu.memory_space<vmem>> -> memref<10000xf32, #tpu.memory_space<vmem>>
      %dma_wait3A_159 = arith.constant 0 : i32
      %dma_wait3A_160 = tpu.memref_slice %arg2[%dma_wait3A_159] : memref<1000000xf32, #tpu.memory_space<hbm>> -> memref<10000xf32, #tpu.memory_space<hbm>>
      %dma_wait3A_161 = arith.constant 0 : i32
      %dma_wait3A_162 = tpu.memref_slice %arg9[%dma_wait3A_161] : memref<12800xf32, #tpu.memory_space<vmem>> -> memref<10000xf32, #tpu.memory_space<vmem>>
      %dma_wait3A_163 = arith.constant 0 : i32
      %dma_wait3A_164 = tpu.memref_slice %arg2[%dma_wait3A_163] : memref<1000000xf32, #tpu.memory_space<hbm>> -> memref<10000xf32, #tpu.memory_space<hbm>>
      tpu.wait_dma2 semaphore(%arg13 : memref<!tpu.dma_semaphore, #tpu.memory_space<semaphore_mem>>) src(%dma_wait3A_164 : memref<10000xf32, #tpu.memory_space<hbm>>) dst(%dma_wait3A_162 : memref<10000xf32, #tpu.memory_space<vmem>>)
      %mul3A_165 = arith.constant 10000 : i32
      %mul3A_166 = arith.muli %add3A_36, %mul3A_165 : i32
      %dma_start3A_167 = arith.constant 0 : i32
      %dma_start3A_168 = tpu.memref_slice %arg9[%dma_start3A_167] : memref<12800xf32, #tpu.memory_space<vmem>> -> memref<10000xf32, #tpu.memory_space<vmem>>
      %dma_start3A_169 = tpu.memref_slice %arg2[%mul3A_166] : memref<1000000xf32, #tpu.memory_space<hbm>> -> memref<10000xf32, #tpu.memory_space<hbm>>
      %dma_start3A_170 = arith.constant 0 : i32
      %dma_start3A_171 = tpu.memref_slice %arg9[%dma_start3A_170] : memref<12800xf32, #tpu.memory_space<vmem>> -> memref<10000xf32, #tpu.memory_space<vmem>>
      %dma_start3A_172 = tpu.memref_slice %arg2[%mul3A_166] : memref<1000000xf32, #tpu.memory_space<hbm>> -> memref<10000xf32, #tpu.memory_space<hbm>>
      tpu.enqueue_dma source(%dma_start3A_172 : memref<10000xf32, #tpu.memory_space<hbm>>) target(%dma_start3A_171 : memref<10000xf32, #tpu.memory_space<vmem>>) target_semaphore(%arg11 : memref<!tpu.dma_semaphore, #tpu.memory_space<semaphore_mem>>)
      %dma_wait3A_173 = arith.constant 0 : i32
      %dma_wait3A_174 = tpu.memref_slice %arg9[%dma_wait3A_173] : memref<12800xf32, #tpu.memory_space<vmem>> -> memref<10000xf32, #tpu.memory_space<vmem>>
      %dma_wait3A_175 = tpu.memref_slice %arg2[%mul3A_166] : memref<1000000xf32, #tpu.memory_space<hbm>> -> memref<10000xf32, #tpu.memory_space<hbm>>
      %dma_wait3A_176 = arith.constant 0 : i32
      %dma_wait3A_177 = tpu.memref_slice %arg9[%dma_wait3A_176] : memref<12800xf32, #tpu.memory_space<vmem>> -> memref<10000xf32, #tpu.memory_space<vmem>>
      %dma_wait3A_178 = tpu.memref_slice %arg2[%mul3A_166] : memref<1000000xf32, #tpu.memory_space<hbm>> -> memref<10000xf32, #tpu.memory_space<hbm>>
      tpu.wait_dma2 semaphore(%arg11 : memref<!tpu.dma_semaphore, #tpu.memory_space<semaphore_mem>>) src(%dma_wait3A_178 : memref<10000xf32, #tpu.memory_space<hbm>>) dst(%dma_wait3A_177 : memref<10000xf32, #tpu.memory_space<vmem>>)
      %mul3A_179 = arith.constant 10000 : i32
      %mul3A_180 = arith.muli %add3A_36, %mul3A_179 : i32
      %dma_start3A_181 = arith.constant 0 : i32
      %dma_start3A_182 = tpu.memref_slice %arg9[%dma_start3A_181] : memref<12800xf32, #tpu.memory_space<vmem>> -> memref<10000xf32, #tpu.memory_space<vmem>>
      %dma_start3A_183 = tpu.memref_slice %arg5[%mul3A_180] : memref<1000000xf32, #tpu.memory_space<vmem_shared>> -> memref<10000xf32, #tpu.memory_space<vmem_shared>>
      %dma_start3A_184 = tpu.memref_slice %arg5[%mul3A_180] : memref<1000000xf32, #tpu.memory_space<vmem_shared>> -> memref<10000xf32, #tpu.memory_space<vmem_shared>>
      %dma_start3A_185 = arith.constant 0 : i32
      %dma_start3A_186 = tpu.memref_slice %arg9[%dma_start3A_185] : memref<12800xf32, #tpu.memory_space<vmem>> -> memref<10000xf32, #tpu.memory_space<vmem>>
      tpu.enqueue_dma source(%dma_start3A_186 : memref<10000xf32, #tpu.memory_space<vmem>>) target(%dma_start3A_184 : memref<10000xf32, #tpu.memory_space<vmem_shared>>) target_semaphore(%arg13 : memref<!tpu.dma_semaphore, #tpu.memory_space<semaphore_mem>>)
    } else {
    }
    %add3A_42 = arith.constant 96 : i32
    %add3A_43 = arith.addi %add3A_42, %arg1 : i32
    %lt3A_44 = arith.constant 100 : i32
    %lt3A_45 = arith.cmpi slt, %add3A_43, %lt3A_44 : i32
    %convert_element_type3A_46 = arith.extui %lt3A_45 : i1 to i32
    %cond3A_47 = arith.constant 0 : i32
    %cond3A_48 = arith.cmpi ne, %convert_element_type3A_46, %cond3A_47 : i32
    scf.if %cond3A_48 {
      %dma_wait3A_157 = arith.constant 0 : i32
      %dma_wait3A_158 = tpu.memref_slice %arg8[%dma_wait3A_157] : memref<12800xf32, #tpu.memory_space<vmem>> -> memref<10000xf32, #tpu.memory_space<vmem>>
      %dma_wait3A_159 = arith.constant 0 : i32
      %dma_wait3A_160 = tpu.memref_slice %arg2[%dma_wait3A_159] : memref<1000000xf32, #tpu.memory_space<hbm>> -> memref<10000xf32, #tpu.memory_space<hbm>>
      %dma_wait3A_161 = arith.constant 0 : i32
      %dma_wait3A_162 = tpu.memref_slice %arg8[%dma_wait3A_161] : memref<12800xf32, #tpu.memory_space<vmem>> -> memref<10000xf32, #tpu.memory_space<vmem>>
      %dma_wait3A_163 = arith.constant 0 : i32
      %dma_wait3A_164 = tpu.memref_slice %arg2[%dma_wait3A_163] : memref<1000000xf32, #tpu.memory_space<hbm>> -> memref<10000xf32, #tpu.memory_space<hbm>>
      tpu.wait_dma2 semaphore(%arg12 : memref<!tpu.dma_semaphore, #tpu.memory_space<semaphore_mem>>) src(%dma_wait3A_164 : memref<10000xf32, #tpu.memory_space<hbm>>) dst(%dma_wait3A_162 : memref<10000xf32, #tpu.memory_space<vmem>>)
      %mul3A_165 = arith.constant 10000 : i32
      %mul3A_166 = arith.muli %add3A_43, %mul3A_165 : i32
      %dma_start3A_167 = arith.constant 0 : i32
      %dma_start3A_168 = tpu.memref_slice %arg8[%dma_start3A_167] : memref<12800xf32, #tpu.memory_space<vmem>> -> memref<10000xf32, #tpu.memory_space<vmem>>
      %dma_start3A_169 = tpu.memref_slice %arg2[%mul3A_166] : memref<1000000xf32, #tpu.memory_space<hbm>> -> memref<10000xf32, #tpu.memory_space<hbm>>
      %dma_start3A_170 = arith.constant 0 : i32
      %dma_start3A_171 = tpu.memref_slice %arg8[%dma_start3A_170] : memref<12800xf32, #tpu.memory_space<vmem>> -> memref<10000xf32, #tpu.memory_space<vmem>>
      %dma_start3A_172 = tpu.memref_slice %arg2[%mul3A_166] : memref<1000000xf32, #tpu.memory_space<hbm>> -> memref<10000xf32, #tpu.memory_space<hbm>>
      tpu.enqueue_dma source(%dma_start3A_172 : memref<10000xf32, #tpu.memory_space<hbm>>) target(%dma_start3A_171 : memref<10000xf32, #tpu.memory_space<vmem>>) target_semaphore(%arg10 : memref<!tpu.dma_semaphore, #tpu.memory_space<semaphore_mem>>)
      %dma_wait3A_173 = arith.constant 0 : i32
      %dma_wait3A_174 = tpu.memref_slice %arg8[%dma_wait3A_173] : memref<12800xf32, #tpu.memory_space<vmem>> -> memref<10000xf32, #tpu.memory_space<vmem>>
      %dma_wait3A_175 = tpu.memref_slice %arg2[%mul3A_166] : memref<1000000xf32, #tpu.memory_space<hbm>> -> memref<10000xf32, #tpu.memory_space<hbm>>
      %dma_wait3A_176 = arith.constant 0 : i32
      %dma_wait3A_177 = tpu.memref_slice %arg8[%dma_wait3A_176] : memref<12800xf32, #tpu.memory_space<vmem>> -> memref<10000xf32, #tpu.memory_space<vmem>>
      %dma_wait3A_178 = tpu.memref_slice %arg2[%mul3A_166] : memref<1000000xf32, #tpu.memory_space<hbm>> -> memref<10000xf32, #tpu.memory_space<hbm>>
      tpu.wait_dma2 semaphore(%arg10 : memref<!tpu.dma_semaphore, #tpu.memory_space<semaphore_mem>>) src(%dma_wait3A_178 : memref<10000xf32, #tpu.memory_space<hbm>>) dst(%dma_wait3A_177 : memref<10000xf32, #tpu.memory_space<vmem>>)
      %mul3A_179 = arith.constant 10000 : i32
      %mul3A_180 = arith.muli %add3A_43, %mul3A_179 : i32
      %dma_start3A_181 = arith.constant 0 : i32
      %dma_start3A_182 = tpu.memref_slice %arg8[%dma_start3A_181] : memref<12800xf32, #tpu.memory_space<vmem>> -> memref<10000xf32, #tpu.memory_space<vmem>>
      %dma_start3A_183 = tpu.memref_slice %arg5[%mul3A_180] : memref<1000000xf32, #tpu.memory_space<vmem_shared>> -> memref<10000xf32, #tpu.memory_space<vmem_shared>>
      %dma_start3A_184 = tpu.memref_slice %arg5[%mul3A_180] : memref<1000000xf32, #tpu.memory_space<vmem_shared>> -> memref<10000xf32, #tpu.memory_space<vmem_shared>>
      %dma_start3A_185 = arith.constant 0 : i32
      %dma_start3A_186 = tpu.memref_slice %arg8[%dma_start3A_185] : memref<12800xf32, #tpu.memory_space<vmem>> -> memref<10000xf32, #tpu.memory_space<vmem>>
      tpu.enqueue_dma source(%dma_start3A_186 : memref<10000xf32, #tpu.memory_space<vmem>>) target(%dma_start3A_184 : memref<10000xf32, #tpu.memory_space<vmem_shared>>) target_semaphore(%arg12 : memref<!tpu.dma_semaphore, #tpu.memory_space<semaphore_mem>>)
    } else {
    }
    %add3A_49 = arith.constant 80 : i32
    %add3A_50 = arith.addi %add3A_49, %arg1 : i32
    %lt3A_51 = arith.constant 100 : i32
    %lt3A_52 = arith.cmpi slt, %add3A_50, %lt3A_51 : i32
    %convert_element_type3A_53 = arith.extui %lt3A_52 : i1 to i32
    %cond3A_54 = arith.constant 0 : i32
    %cond3A_55 = arith.cmpi ne, %convert_element_type3A_53, %cond3A_54 : i32
    scf.if %cond3A_55 {
      %dma_wait3A_157 = arith.constant 0 : i32
      %dma_wait3A_158 = tpu.memref_slice %arg9[%dma_wait3A_157] : memref<12800xf32, #tpu.memory_space<vmem>> -> memref<10000xf32, #tpu.memory_space<vmem>>
      %dma_wait3A_159 = arith.constant 0 : i32
      %dma_wait3A_160 = tpu.memref_slice %arg2[%dma_wait3A_159] : memref<1000000xf32, #tpu.memory_space<hbm>> -> memref<10000xf32, #tpu.memory_space<hbm>>
      %dma_wait3A_161 = arith.constant 0 : i32
      %dma_wait3A_162 = tpu.memref_slice %arg9[%dma_wait3A_161] : memref<12800xf32, #tpu.memory_space<vmem>> -> memref<10000xf32, #tpu.memory_space<vmem>>
      %dma_wait3A_163 = arith.constant 0 : i32
      %dma_wait3A_164 = tpu.memref_slice %arg2[%dma_wait3A_163] : memref<1000000xf32, #tpu.memory_space<hbm>> -> memref<10000xf32, #tpu.memory_space<hbm>>
      tpu.wait_dma2 semaphore(%arg13 : memref<!tpu.dma_semaphore, #tpu.memory_space<semaphore_mem>>) src(%dma_wait3A_164 : memref<10000xf32, #tpu.memory_space<hbm>>) dst(%dma_wait3A_162 : memref<10000xf32, #tpu.memory_space<vmem>>)
    } else {
    }
    %add3A_56 = arith.constant 96 : i32
    %add3A_57 = arith.addi %add3A_56, %arg1 : i32
    %lt3A_58 = arith.constant 100 : i32
    %lt3A_59 = arith.cmpi slt, %add3A_57, %lt3A_58 : i32
    %convert_element_type3A_60 = arith.extui %lt3A_59 : i1 to i32
    %cond3A_61 = arith.constant 0 : i32
    %cond3A_62 = arith.cmpi ne, %convert_element_type3A_60, %cond3A_61 : i32
    scf.if %cond3A_62 {
      %dma_wait3A_157 = arith.constant 0 : i32
      %dma_wait3A_158 = tpu.memref_slice %arg8[%dma_wait3A_157] : memref<12800xf32, #tpu.memory_space<vmem>> -> memref<10000xf32, #tpu.memory_space<vmem>>
      %dma_wait3A_159 = arith.constant 0 : i32
      %dma_wait3A_160 = tpu.memref_slice %arg2[%dma_wait3A_159] : memref<1000000xf32, #tpu.memory_space<hbm>> -> memref<10000xf32, #tpu.memory_space<hbm>>
      %dma_wait3A_161 = arith.constant 0 : i32
      %dma_wait3A_162 = tpu.memref_slice %arg8[%dma_wait3A_161] : memref<12800xf32, #tpu.memory_space<vmem>> -> memref<10000xf32, #tpu.memory_space<vmem>>
      %dma_wait3A_163 = arith.constant 0 : i32
      %dma_wait3A_164 = tpu.memref_slice %arg2[%dma_wait3A_163] : memref<1000000xf32, #tpu.memory_space<hbm>> -> memref<10000xf32, #tpu.memory_space<hbm>>
      tpu.wait_dma2 semaphore(%arg12 : memref<!tpu.dma_semaphore, #tpu.memory_space<semaphore_mem>>) src(%dma_wait3A_164 : memref<10000xf32, #tpu.memory_space<hbm>>) dst(%dma_wait3A_162 : memref<10000xf32, #tpu.memory_space<vmem>>)
    } else {
    }
    %barrier3A = arith.constant 0 : index
    tpu.barrier barrier_id(%barrier3A)
    %add3A_63 = arith.constant 0 : i32
    %add3A_64 = arith.addi %mul3A_2, %add3A_63 : i32
    "tpu.region"() ({
      %run_scoped3A = tpu.sem_alloc : memref<!tpu.dma_semaphore, #tpu.memory_space<semaphore_mem>>
      %dma_start3A_157 = tpu.memref_slice %arg3[%add3A_64] : memref<3276800xi32, #tpu.memory_space<hbm>> -> memref<12800xi32, #tpu.memory_space<hbm>>
      %dma_start3A_158 = tpu.memref_slice %arg3[%add3A_64] : memref<3276800xi32, #tpu.memory_space<hbm>> -> memref<12800xi32, #tpu.memory_space<hbm>>
      tpu.enqueue_dma source(%dma_start3A_158 : memref<12800xi32, #tpu.memory_space<hbm>>) target(%arg6 : memref<12800xi32, #tpu.memory_space<vmem>>) target_semaphore(%run_scoped3A : memref<!tpu.dma_semaphore, #tpu.memory_space<semaphore_mem>>)
      %dma_wait3A_159 = tpu.memref_slice %arg3[%add3A_64] : memref<3276800xi32, #tpu.memory_space<hbm>> -> memref<12800xi32, #tpu.memory_space<hbm>>
      %dma_wait3A_160 = tpu.memref_slice %arg3[%add3A_64] : memref<3276800xi32, #tpu.memory_space<hbm>> -> memref<12800xi32, #tpu.memory_space<hbm>>
      tpu.wait_dma2 semaphore(%run_scoped3A : memref<!tpu.dma_semaphore, #tpu.memory_space<semaphore_mem>>) src(%dma_wait3A_160 : memref<12800xi32, #tpu.memory_space<hbm>>) dst(%arg6 : memref<12800xi32, #tpu.memory_space<vmem>>)
      tpu.yield
    }) : () -> ()
    %dma_start3A = arith.constant 0 : i32
    %dma_start3A_65 = tpu.memref_slice %arg5[%dma_start3A] : memref<1000000xf32, #tpu.memory_space<vmem_shared>> -> memref<1000000xf32, #tpu.memory_space<vmem_shared>>
    tpu.enqueue_indirect_dma source(%dma_start3A_65 : memref<1000000xf32, #tpu.memory_space<vmem_shared>>) target(%arg8 : memref<12800xf32, #tpu.memory_space<vmem>>) offsets(%arg6 : memref<12800xi32, #tpu.memory_space<vmem>>) semaphore(%arg10 : memref<!tpu.dma_semaphore, #tpu.memory_space<semaphore_mem>>)
    %add3A_66 = arith.constant 12800 : i32
    %add3A_67 = arith.addi %mul3A_2, %add3A_66 : i32
    "tpu.region"() ({
      %run_scoped3A = tpu.sem_alloc : memref<!tpu.dma_semaphore, #tpu.memory_space<semaphore_mem>>
      %dma_start3A_157 = tpu.memref_slice %arg3[%add3A_67] : memref<3276800xi32, #tpu.memory_space<hbm>> -> memref<12800xi32, #tpu.memory_space<hbm>>
      %dma_start3A_158 = tpu.memref_slice %arg3[%add3A_67] : memref<3276800xi32, #tpu.memory_space<hbm>> -> memref<12800xi32, #tpu.memory_space<hbm>>
      tpu.enqueue_dma source(%dma_start3A_158 : memref<12800xi32, #tpu.memory_space<hbm>>) target(%arg7 : memref<12800xi32, #tpu.memory_space<vmem>>) target_semaphore(%run_scoped3A : memref<!tpu.dma_semaphore, #tpu.memory_space<semaphore_mem>>)
      %dma_wait3A_159 = tpu.memref_slice %arg3[%add3A_67] : memref<3276800xi32, #tpu.memory_space<hbm>> -> memref<12800xi32, #tpu.memory_space<hbm>>
      %dma_wait3A_160 = tpu.memref_slice %arg3[%add3A_67] : memref<3276800xi32, #tpu.memory_space<hbm>> -> memref<12800xi32, #tpu.memory_space<hbm>>
      tpu.wait_dma2 semaphore(%run_scoped3A : memref<!tpu.dma_semaphore, #tpu.memory_space<semaphore_mem>>) src(%dma_wait3A_160 : memref<12800xi32, #tpu.memory_space<hbm>>) dst(%arg7 : memref<12800xi32, #tpu.memory_space<vmem>>)
      tpu.yield
    }) : () -> ()
    %dma_start3A_68 = arith.constant 0 : i32
    %dma_start3A_69 = tpu.memref_slice %arg5[%dma_start3A_68] : memref<1000000xf32, #tpu.memory_space<vmem_shared>> -> memref<1000000xf32, #tpu.memory_space<vmem_shared>>
    tpu.enqueue_indirect_dma source(%dma_start3A_69 : memref<1000000xf32, #tpu.memory_space<vmem_shared>>) target(%arg9 : memref<12800xf32, #tpu.memory_space<vmem>>) offsets(%arg7 : memref<12800xi32, #tpu.memory_space<vmem>>) semaphore(%arg11 : memref<!tpu.dma_semaphore, #tpu.memory_space<semaphore_mem>>)
    %dma_wait3A = arith.constant 0 : i32
    %dma_wait3A_70 = tpu.memref_slice %arg5[%dma_wait3A] : memref<1000000xf32, #tpu.memory_space<vmem_shared>> -> memref<1000000xf32, #tpu.memory_space<vmem_shared>>
    tpu.wait_indirect_dma semaphore(%arg10 : memref<!tpu.dma_semaphore, #tpu.memory_space<semaphore_mem>>) src(%dma_wait3A_70 : memref<1000000xf32, #tpu.memory_space<vmem_shared>>) dst(%arg8 : memref<12800xf32, #tpu.memory_space<vmem>>)
    %add3A_71 = arith.constant 0 : i32
    %add3A_72 = arith.addi %mul3A_2, %add3A_71 : i32
    %dma_start3A_73 = tpu.memref_slice %arg4[%add3A_72] : memref<3276800xf32, #tpu.memory_space<hbm>> -> memref<12800xf32, #tpu.memory_space<hbm>>
    %dma_start3A_74 = tpu.memref_slice %arg4[%add3A_72] : memref<3276800xf32, #tpu.memory_space<hbm>> -> memref<12800xf32, #tpu.memory_space<hbm>>
    tpu.enqueue_dma source(%arg8 : memref<12800xf32, #tpu.memory_space<vmem>>) target(%dma_start3A_74 : memref<12800xf32, #tpu.memory_space<hbm>>) target_semaphore(%arg12 : memref<!tpu.dma_semaphore, #tpu.memory_space<semaphore_mem>>)
    %dma_wait3A_75 = tpu.memref_slice %arg4[%add3A_72] : memref<3276800xf32, #tpu.memory_space<hbm>> -> memref<12800xf32, #tpu.memory_space<hbm>>
    %dma_wait3A_76 = tpu.memref_slice %arg4[%add3A_72] : memref<3276800xf32, #tpu.memory_space<hbm>> -> memref<12800xf32, #tpu.memory_space<hbm>>
    tpu.wait_dma2 semaphore(%arg12 : memref<!tpu.dma_semaphore, #tpu.memory_space<semaphore_mem>>) src(%arg8 : memref<12800xf32, #tpu.memory_space<vmem>>) dst(%dma_wait3A_76 : memref<12800xf32, #tpu.memory_space<hbm>>)
    %add3A_77 = arith.constant 25600 : i32
    %add3A_78 = arith.addi %mul3A_2, %add3A_77 : i32
    "tpu.region"() ({
      %run_scoped3A = tpu.sem_alloc : memref<!tpu.dma_semaphore, #tpu.memory_space<semaphore_mem>>
      %dma_start3A_157 = tpu.memref_slice %arg3[%add3A_78] : memref<3276800xi32, #tpu.memory_space<hbm>> -> memref<12800xi32, #tpu.memory_space<hbm>>
      %dma_start3A_158 = tpu.memref_slice %arg3[%add3A_78] : memref<3276800xi32, #tpu.memory_space<hbm>> -> memref<12800xi32, #tpu.memory_space<hbm>>
      tpu.enqueue_dma source(%dma_start3A_158 : memref<12800xi32, #tpu.memory_space<hbm>>) target(%arg6 : memref<12800xi32, #tpu.memory_space<vmem>>) target_semaphore(%run_scoped3A : memref<!tpu.dma_semaphore, #tpu.memory_space<semaphore_mem>>)
      %dma_wait3A_159 = tpu.memref_slice %arg3[%add3A_78] : memref<3276800xi32, #tpu.memory_space<hbm>> -> memref<12800xi32, #tpu.memory_space<hbm>>
      %dma_wait3A_160 = tpu.memref_slice %arg3[%add3A_78] : memref<3276800xi32, #tpu.memory_space<hbm>> -> memref<12800xi32, #tpu.memory_space<hbm>>
      tpu.wait_dma2 semaphore(%run_scoped3A : memref<!tpu.dma_semaphore, #tpu.memory_space<semaphore_mem>>) src(%dma_wait3A_160 : memref<12800xi32, #tpu.memory_space<hbm>>) dst(%arg6 : memref<12800xi32, #tpu.memory_space<vmem>>)
      tpu.yield
    }) : () -> ()
    %dma_start3A_79 = arith.constant 0 : i32
    %dma_start3A_80 = tpu.memref_slice %arg5[%dma_start3A_79] : memref<1000000xf32, #tpu.memory_space<vmem_shared>> -> memref<1000000xf32, #tpu.memory_space<vmem_shared>>
    tpu.enqueue_indirect_dma source(%dma_start3A_80 : memref<1000000xf32, #tpu.memory_space<vmem_shared>>) target(%arg8 : memref<12800xf32, #tpu.memory_space<vmem>>) offsets(%arg6 : memref<12800xi32, #tpu.memory_space<vmem>>) semaphore(%arg10 : memref<!tpu.dma_semaphore, #tpu.memory_space<semaphore_mem>>)
    %dma_wait3A_81 = arith.constant 0 : i32
    %dma_wait3A_82 = tpu.memref_slice %arg5[%dma_wait3A_81] : memref<1000000xf32, #tpu.memory_space<vmem_shared>> -> memref<1000000xf32, #tpu.memory_space<vmem_shared>>
    tpu.wait_indirect_dma semaphore(%arg11 : memref<!tpu.dma_semaphore, #tpu.memory_space<semaphore_mem>>) src(%dma_wait3A_82 : memref<1000000xf32, #tpu.memory_space<vmem_shared>>) dst(%arg9 : memref<12800xf32, #tpu.memory_space<vmem>>)
    %add3A_83 = arith.constant 12800 : i32
    %add3A_84 = arith.addi %mul3A_2, %add3A_83 : i32
    %dma_start3A_85 = tpu.memref_slice %arg4[%add3A_84] : memref<3276800xf32, #tpu.memory_space<hbm>> -> memref<12800xf32, #tpu.memory_space<hbm>>
    %dma_start3A_86 = tpu.memref_slice %arg4[%add3A_84] : memref<3276800xf32, #tpu.memory_space<hbm>> -> memref<12800xf32, #tpu.memory_space<hbm>>
    tpu.enqueue_dma source(%arg9 : memref<12800xf32, #tpu.memory_space<vmem>>) target(%dma_start3A_86 : memref<12800xf32, #tpu.memory_space<hbm>>) target_semaphore(%arg13 : memref<!tpu.dma_semaphore, #tpu.memory_space<semaphore_mem>>)
    %dma_wait3A_87 = tpu.memref_slice %arg4[%add3A_84] : memref<3276800xf32, #tpu.memory_space<hbm>> -> memref<12800xf32, #tpu.memory_space<hbm>>
    %dma_wait3A_88 = tpu.memref_slice %arg4[%add3A_84] : memref<3276800xf32, #tpu.memory_space<hbm>> -> memref<12800xf32, #tpu.memory_space<hbm>>
    tpu.wait_dma2 semaphore(%arg13 : memref<!tpu.dma_semaphore, #tpu.memory_space<semaphore_mem>>) src(%arg9 : memref<12800xf32, #tpu.memory_space<vmem>>) dst(%dma_wait3A_88 : memref<12800xf32, #tpu.memory_space<hbm>>)
    %add3A_89 = arith.constant 38400 : i32
    %add3A_90 = arith.addi %mul3A_2, %add3A_89 : i32
    "tpu.region"() ({
      %run_scoped3A = tpu.sem_alloc : memref<!tpu.dma_semaphore, #tpu.memory_space<semaphore_mem>>
      %dma_start3A_157 = tpu.memref_slice %arg3[%add3A_90] : memref<3276800xi32, #tpu.memory_space<hbm>> -> memref<12800xi32, #tpu.memory_space<hbm>>
      %dma_start3A_158 = tpu.memref_slice %arg3[%add3A_90] : memref<3276800xi32, #tpu.memory_space<hbm>> -> memref<12800xi32, #tpu.memory_space<hbm>>
      tpu.enqueue_dma source(%dma_start3A_158 : memref<12800xi32, #tpu.memory_space<hbm>>) target(%arg7 : memref<12800xi32, #tpu.memory_space<vmem>>) target_semaphore(%run_scoped3A : memref<!tpu.dma_semaphore, #tpu.memory_space<semaphore_mem>>)
      %dma_wait3A_159 = tpu.memref_slice %arg3[%add3A_90] : memref<3276800xi32, #tpu.memory_space<hbm>> -> memref<12800xi32, #tpu.memory_space<hbm>>
      %dma_wait3A_160 = tpu.memref_slice %arg3[%add3A_90] : memref<3276800xi32, #tpu.memory_space<hbm>> -> memref<12800xi32, #tpu.memory_space<hbm>>
      tpu.wait_dma2 semaphore(%run_scoped3A : memref<!tpu.dma_semaphore, #tpu.memory_space<semaphore_mem>>) src(%dma_wait3A_160 : memref<12800xi32, #tpu.memory_space<hbm>>) dst(%arg7 : memref<12800xi32, #tpu.memory_space<vmem>>)
      tpu.yield
    }) : () -> ()
    %dma_start3A_91 = arith.constant 0 : i32
    %dma_start3A_92 = tpu.memref_slice %arg5[%dma_start3A_91] : memref<1000000xf32, #tpu.memory_space<vmem_shared>> -> memref<1000000xf32, #tpu.memory_space<vmem_shared>>
    tpu.enqueue_indirect_dma source(%dma_start3A_92 : memref<1000000xf32, #tpu.memory_space<vmem_shared>>) target(%arg9 : memref<12800xf32, #tpu.memory_space<vmem>>) offsets(%arg7 : memref<12800xi32, #tpu.memory_space<vmem>>) semaphore(%arg11 : memref<!tpu.dma_semaphore, #tpu.memory_space<semaphore_mem>>)
    %dma_wait3A_93 = arith.constant 0 : i32
    %dma_wait3A_94 = tpu.memref_slice %arg5[%dma_wait3A_93] : memref<1000000xf32, #tpu.memory_space<vmem_shared>> -> memref<1000000xf32, #tpu.memory_space<vmem_shared>>
    tpu.wait_indirect_dma semaphore(%arg10 : memref<!tpu.dma_semaphore, #tpu.memory_space<semaphore_mem>>) src(%dma_wait3A_94 : memref<1000000xf32, #tpu.memory_space<vmem_shared>>) dst(%arg8 : memref<12800xf32, #tpu.memory_space<vmem>>)
    %add3A_95 = arith.constant 25600 : i32
    %add3A_96 = arith.addi %mul3A_2, %add3A_95 : i32
    %dma_start3A_97 = tpu.memref_slice %arg4[%add3A_96] : memref<3276800xf32, #tpu.memory_space<hbm>> -> memref<12800xf32, #tpu.memory_space<hbm>>
    %dma_start3A_98 = tpu.memref_slice %arg4[%add3A_96] : memref<3276800xf32, #tpu.memory_space<hbm>> -> memref<12800xf32, #tpu.memory_space<hbm>>
    tpu.enqueue_dma source(%arg8 : memref<12800xf32, #tpu.memory_space<vmem>>) target(%dma_start3A_98 : memref<12800xf32, #tpu.memory_space<hbm>>) target_semaphore(%arg12 : memref<!tpu.dma_semaphore, #tpu.memory_space<semaphore_mem>>)
    %dma_wait3A_99 = tpu.memref_slice %arg4[%add3A_96] : memref<3276800xf32, #tpu.memory_space<hbm>> -> memref<12800xf32, #tpu.memory_space<hbm>>
    %dma_wait3A_100 = tpu.memref_slice %arg4[%add3A_96] : memref<3276800xf32, #tpu.memory_space<hbm>> -> memref<12800xf32, #tpu.memory_space<hbm>>
    tpu.wait_dma2 semaphore(%arg12 : memref<!tpu.dma_semaphore, #tpu.memory_space<semaphore_mem>>) src(%arg8 : memref<12800xf32, #tpu.memory_space<vmem>>) dst(%dma_wait3A_100 : memref<12800xf32, #tpu.memory_space<hbm>>)
    %add3A_101 = arith.constant 51200 : i32
    %add3A_102 = arith.addi %mul3A_2, %add3A_101 : i32
    "tpu.region"() ({
      %run_scoped3A = tpu.sem_alloc : memref<!tpu.dma_semaphore, #tpu.memory_space<semaphore_mem>>
      %dma_start3A_157 = tpu.memref_slice %arg3[%add3A_102] : memref<3276800xi32, #tpu.memory_space<hbm>> -> memref<12800xi32, #tpu.memory_space<hbm>>
      %dma_start3A_158 = tpu.memref_slice %arg3[%add3A_102] : memref<3276800xi32, #tpu.memory_space<hbm>> -> memref<12800xi32, #tpu.memory_space<hbm>>
      tpu.enqueue_dma source(%dma_start3A_158 : memref<12800xi32, #tpu.memory_space<hbm>>) target(%arg6 : memref<12800xi32, #tpu.memory_space<vmem>>) target_semaphore(%run_scoped3A : memref<!tpu.dma_semaphore, #tpu.memory_space<semaphore_mem>>)
      %dma_wait3A_159 = tpu.memref_slice %arg3[%add3A_102] : memref<3276800xi32, #tpu.memory_space<hbm>> -> memref<12800xi32, #tpu.memory_space<hbm>>
      %dma_wait3A_160 = tpu.memref_slice %arg3[%add3A_102] : memref<3276800xi32, #tpu.memory_space<hbm>> -> memref<12800xi32, #tpu.memory_space<hbm>>
      tpu.wait_dma2 semaphore(%run_scoped3A : memref<!tpu.dma_semaphore, #tpu.memory_space<semaphore_mem>>) src(%dma_wait3A_160 : memref<12800xi32, #tpu.memory_space<hbm>>) dst(%arg6 : memref<12800xi32, #tpu.memory_space<vmem>>)
      tpu.yield
    }) : () -> ()
    %dma_start3A_103 = arith.constant 0 : i32
    %dma_start3A_104 = tpu.memref_slice %arg5[%dma_start3A_103] : memref<1000000xf32, #tpu.memory_space<vmem_shared>> -> memref<1000000xf32, #tpu.memory_space<vmem_shared>>
    tpu.enqueue_indirect_dma source(%dma_start3A_104 : memref<1000000xf32, #tpu.memory_space<vmem_shared>>) target(%arg8 : memref<12800xf32, #tpu.memory_space<vmem>>) offsets(%arg6 : memref<12800xi32, #tpu.memory_space<vmem>>) semaphore(%arg10 : memref<!tpu.dma_semaphore, #tpu.memory_space<semaphore_mem>>)
    %dma_wait3A_105 = arith.constant 0 : i32
    %dma_wait3A_106 = tpu.memref_slice %arg5[%dma_wait3A_105] : memref<1000000xf32, #tpu.memory_space<vmem_shared>> -> memref<1000000xf32, #tpu.memory_space<vmem_shared>>
    tpu.wait_indirect_dma semaphore(%arg11 : memref<!tpu.dma_semaphore, #tpu.memory_space<semaphore_mem>>) src(%dma_wait3A_106 : memref<1000000xf32, #tpu.memory_space<vmem_shared>>) dst(%arg9 : memref<12800xf32, #tpu.memory_space<vmem>>)
    %add3A_107 = arith.constant 38400 : i32
    %add3A_108 = arith.addi %mul3A_2, %add3A_107 : i32
    %dma_start3A_109 = tpu.memref_slice %arg4[%add3A_108] : memref<3276800xf32, #tpu.memory_space<hbm>> -> memref<12800xf32, #tpu.memory_space<hbm>>
    %dma_start3A_110 = tpu.memref_slice %arg4[%add3A_108] : memref<3276800xf32, #tpu.memory_space<hbm>> -> memref<12800xf32, #tpu.memory_space<hbm>>
    tpu.enqueue_dma source(%arg9 : memref<12800xf32, #tpu.memory_space<vmem>>) target(%dma_start3A_110 : memref<12800xf32, #tpu.memory_space<hbm>>) target_semaphore(%arg13 : memref<!tpu.dma_semaphore, #tpu.memory_space<semaphore_mem>>)
    %dma_wait3A_111 = tpu.memref_slice %arg4[%add3A_108] : memref<3276800xf32, #tpu.memory_space<hbm>> -> memref<12800xf32, #tpu.memory_space<hbm>>
    %dma_wait3A_112 = tpu.memref_slice %arg4[%add3A_108] : memref<3276800xf32, #tpu.memory_space<hbm>> -> memref<12800xf32, #tpu.memory_space<hbm>>
    tpu.wait_dma2 semaphore(%arg13 : memref<!tpu.dma_semaphore, #tpu.memory_space<semaphore_mem>>) src(%arg9 : memref<12800xf32, #tpu.memory_space<vmem>>) dst(%dma_wait3A_112 : memref<12800xf32, #tpu.memory_space<hbm>>)
    %add3A_113 = arith.constant 64000 : i32
    %add3A_114 = arith.addi %mul3A_2, %add3A_113 : i32
    "tpu.region"() ({
      %run_scoped3A = tpu.sem_alloc : memref<!tpu.dma_semaphore, #tpu.memory_space<semaphore_mem>>
      %dma_start3A_157 = tpu.memref_slice %arg3[%add3A_114] : memref<3276800xi32, #tpu.memory_space<hbm>> -> memref<12800xi32, #tpu.memory_space<hbm>>
      %dma_start3A_158 = tpu.memref_slice %arg3[%add3A_114] : memref<3276800xi32, #tpu.memory_space<hbm>> -> memref<12800xi32, #tpu.memory_space<hbm>>
      tpu.enqueue_dma source(%dma_start3A_158 : memref<12800xi32, #tpu.memory_space<hbm>>) target(%arg7 : memref<12800xi32, #tpu.memory_space<vmem>>) target_semaphore(%run_scoped3A : memref<!tpu.dma_semaphore, #tpu.memory_space<semaphore_mem>>)
      %dma_wait3A_159 = tpu.memref_slice %arg3[%add3A_114] : memref<3276800xi32, #tpu.memory_space<hbm>> -> memref<12800xi32, #tpu.memory_space<hbm>>
      %dma_wait3A_160 = tpu.memref_slice %arg3[%add3A_114] : memref<3276800xi32, #tpu.memory_space<hbm>> -> memref<12800xi32, #tpu.memory_space<hbm>>
      tpu.wait_dma2 semaphore(%run_scoped3A : memref<!tpu.dma_semaphore, #tpu.memory_space<semaphore_mem>>) src(%dma_wait3A_160 : memref<12800xi32, #tpu.memory_space<hbm>>) dst(%arg7 : memref<12800xi32, #tpu.memory_space<vmem>>)
      tpu.yield
    }) : () -> ()
    %dma_start3A_115 = arith.constant 0 : i32
    %dma_start3A_116 = tpu.memref_slice %arg5[%dma_start3A_115] : memref<1000000xf32, #tpu.memory_space<vmem_shared>> -> memref<1000000xf32, #tpu.memory_space<vmem_shared>>
    tpu.enqueue_indirect_dma source(%dma_start3A_116 : memref<1000000xf32, #tpu.memory_space<vmem_shared>>) target(%arg9 : memref<12800xf32, #tpu.memory_space<vmem>>) offsets(%arg7 : memref<12800xi32, #tpu.memory_space<vmem>>) semaphore(%arg11 : memref<!tpu.dma_semaphore, #tpu.memory_space<semaphore_mem>>)
    %dma_wait3A_117 = arith.constant 0 : i32
    %dma_wait3A_118 = tpu.memref_slice %arg5[%dma_wait3A_117] : memref<1000000xf32, #tpu.memory_space<vmem_shared>> -> memref<1000000xf32, #tpu.memory_space<vmem_shared>>
    tpu.wait_indirect_dma semaphore(%arg10 : memref<!tpu.dma_semaphore, #tpu.memory_space<semaphore_mem>>) src(%dma_wait3A_118 : memref<1000000xf32, #tpu.memory_space<vmem_shared>>) dst(%arg8 : memref<12800xf32, #tpu.memory_space<vmem>>)
    %add3A_119 = arith.constant 51200 : i32
    %add3A_120 = arith.addi %mul3A_2, %add3A_119 : i32
    %dma_start3A_121 = tpu.memref_slice %arg4[%add3A_120] : memref<3276800xf32, #tpu.memory_space<hbm>> -> memref<12800xf32, #tpu.memory_space<hbm>>
    %dma_start3A_122 = tpu.memref_slice %arg4[%add3A_120] : memref<3276800xf32, #tpu.memory_space<hbm>> -> memref<12800xf32, #tpu.memory_space<hbm>>
    tpu.enqueue_dma source(%arg8 : memref<12800xf32, #tpu.memory_space<vmem>>) target(%dma_start3A_122 : memref<12800xf32, #tpu.memory_space<hbm>>) target_semaphore(%arg12 : memref<!tpu.dma_semaphore, #tpu.memory_space<semaphore_mem>>)
    %dma_wait3A_123 = tpu.memref_slice %arg4[%add3A_120] : memref<3276800xf32, #tpu.memory_space<hbm>> -> memref<12800xf32, #tpu.memory_space<hbm>>
    %dma_wait3A_124 = tpu.memref_slice %arg4[%add3A_120] : memref<3276800xf32, #tpu.memory_space<hbm>> -> memref<12800xf32, #tpu.memory_space<hbm>>
    tpu.wait_dma2 semaphore(%arg12 : memref<!tpu.dma_semaphore, #tpu.memory_space<semaphore_mem>>) src(%arg8 : memref<12800xf32, #tpu.memory_space<vmem>>) dst(%dma_wait3A_124 : memref<12800xf32, #tpu.memory_space<hbm>>)
    %add3A_125 = arith.constant 76800 : i32
    %add3A_126 = arith.addi %mul3A_2, %add3A_125 : i32
    "tpu.region"() ({
      %run_scoped3A = tpu.sem_alloc : memref<!tpu.dma_semaphore, #tpu.memory_space<semaphore_mem>>
      %dma_start3A_157 = tpu.memref_slice %arg3[%add3A_126] : memref<3276800xi32, #tpu.memory_space<hbm>> -> memref<12800xi32, #tpu.memory_space<hbm>>
      %dma_start3A_158 = tpu.memref_slice %arg3[%add3A_126] : memref<3276800xi32, #tpu.memory_space<hbm>> -> memref<12800xi32, #tpu.memory_space<hbm>>
      tpu.enqueue_dma source(%dma_start3A_158 : memref<12800xi32, #tpu.memory_space<hbm>>) target(%arg6 : memref<12800xi32, #tpu.memory_space<vmem>>) target_semaphore(%run_scoped3A : memref<!tpu.dma_semaphore, #tpu.memory_space<semaphore_mem>>)
      %dma_wait3A_159 = tpu.memref_slice %arg3[%add3A_126] : memref<3276800xi32, #tpu.memory_space<hbm>> -> memref<12800xi32, #tpu.memory_space<hbm>>
      %dma_wait3A_160 = tpu.memref_slice %arg3[%add3A_126] : memref<3276800xi32, #tpu.memory_space<hbm>> -> memref<12800xi32, #tpu.memory_space<hbm>>
      tpu.wait_dma2 semaphore(%run_scoped3A : memref<!tpu.dma_semaphore, #tpu.memory_space<semaphore_mem>>) src(%dma_wait3A_160 : memref<12800xi32, #tpu.memory_space<hbm>>) dst(%arg6 : memref<12800xi32, #tpu.memory_space<vmem>>)
      tpu.yield
    }) : () -> ()
    %dma_start3A_127 = arith.constant 0 : i32
    %dma_start3A_128 = tpu.memref_slice %arg5[%dma_start3A_127] : memref<1000000xf32, #tpu.memory_space<vmem_shared>> -> memref<1000000xf32, #tpu.memory_space<vmem_shared>>
    tpu.enqueue_indirect_dma source(%dma_start3A_128 : memref<1000000xf32, #tpu.memory_space<vmem_shared>>) target(%arg8 : memref<12800xf32, #tpu.memory_space<vmem>>) offsets(%arg6 : memref<12800xi32, #tpu.memory_space<vmem>>) semaphore(%arg10 : memref<!tpu.dma_semaphore, #tpu.memory_space<semaphore_mem>>)
    %dma_wait3A_129 = arith.constant 0 : i32
    %dma_wait3A_130 = tpu.memref_slice %arg5[%dma_wait3A_129] : memref<1000000xf32, #tpu.memory_space<vmem_shared>> -> memref<1000000xf32, #tpu.memory_space<vmem_shared>>
    tpu.wait_indirect_dma semaphore(%arg11 : memref<!tpu.dma_semaphore, #tpu.memory_space<semaphore_mem>>) src(%dma_wait3A_130 : memref<1000000xf32, #tpu.memory_space<vmem_shared>>) dst(%arg9 : memref<12800xf32, #tpu.memory_space<vmem>>)
    %add3A_131 = arith.constant 64000 : i32
    %add3A_132 = arith.addi %mul3A_2, %add3A_131 : i32
    %dma_start3A_133 = tpu.memref_slice %arg4[%add3A_132] : memref<3276800xf32, #tpu.memory_space<hbm>> -> memref<12800xf32, #tpu.memory_space<hbm>>
    %dma_start3A_134 = tpu.memref_slice %arg4[%add3A_132] : memref<3276800xf32, #tpu.memory_space<hbm>> -> memref<12800xf32, #tpu.memory_space<hbm>>
    tpu.enqueue_dma source(%arg9 : memref<12800xf32, #tpu.memory_space<vmem>>) target(%dma_start3A_134 : memref<12800xf32, #tpu.memory_space<hbm>>) target_semaphore(%arg13 : memref<!tpu.dma_semaphore, #tpu.memory_space<semaphore_mem>>)
    %dma_wait3A_135 = tpu.memref_slice %arg4[%add3A_132] : memref<3276800xf32, #tpu.memory_space<hbm>> -> memref<12800xf32, #tpu.memory_space<hbm>>
    %dma_wait3A_136 = tpu.memref_slice %arg4[%add3A_132] : memref<3276800xf32, #tpu.memory_space<hbm>> -> memref<12800xf32, #tpu.memory_space<hbm>>
    tpu.wait_dma2 semaphore(%arg13 : memref<!tpu.dma_semaphore, #tpu.memory_space<semaphore_mem>>) src(%arg9 : memref<12800xf32, #tpu.memory_space<vmem>>) dst(%dma_wait3A_136 : memref<12800xf32, #tpu.memory_space<hbm>>)
    %add3A_137 = arith.constant 89600 : i32
    %add3A_138 = arith.addi %mul3A_2, %add3A_137 : i32
    "tpu.region"() ({
      %run_scoped3A = tpu.sem_alloc : memref<!tpu.dma_semaphore, #tpu.memory_space<semaphore_mem>>
      %dma_start3A_157 = tpu.memref_slice %arg3[%add3A_138] : memref<3276800xi32, #tpu.memory_space<hbm>> -> memref<12800xi32, #tpu.memory_space<hbm>>
      %dma_start3A_158 = tpu.memref_slice %arg3[%add3A_138] : memref<3276800xi32, #tpu.memory_space<hbm>> -> memref<12800xi32, #tpu.memory_space<hbm>>
      tpu.enqueue_dma source(%dma_start3A_158 : memref<12800xi32, #tpu.memory_space<hbm>>) target(%arg7 : memref<12800xi32, #tpu.memory_space<vmem>>) target_semaphore(%run_scoped3A : memref<!tpu.dma_semaphore, #tpu.memory_space<semaphore_mem>>)
      %dma_wait3A_159 = tpu.memref_slice %arg3[%add3A_138] : memref<3276800xi32, #tpu.memory_space<hbm>> -> memref<12800xi32, #tpu.memory_space<hbm>>
      %dma_wait3A_160 = tpu.memref_slice %arg3[%add3A_138] : memref<3276800xi32, #tpu.memory_space<hbm>> -> memref<12800xi32, #tpu.memory_space<hbm>>
      tpu.wait_dma2 semaphore(%run_scoped3A : memref<!tpu.dma_semaphore, #tpu.memory_space<semaphore_mem>>) src(%dma_wait3A_160 : memref<12800xi32, #tpu.memory_space<hbm>>) dst(%arg7 : memref<12800xi32, #tpu.memory_space<vmem>>)
      tpu.yield
    }) : () -> ()
    %dma_start3A_139 = arith.constant 0 : i32
    %dma_start3A_140 = tpu.memref_slice %arg5[%dma_start3A_139] : memref<1000000xf32, #tpu.memory_space<vmem_shared>> -> memref<1000000xf32, #tpu.memory_space<vmem_shared>>
    tpu.enqueue_indirect_dma source(%dma_start3A_140 : memref<1000000xf32, #tpu.memory_space<vmem_shared>>) target(%arg9 : memref<12800xf32, #tpu.memory_space<vmem>>) offsets(%arg7 : memref<12800xi32, #tpu.memory_space<vmem>>) semaphore(%arg11 : memref<!tpu.dma_semaphore, #tpu.memory_space<semaphore_mem>>)
    %dma_wait3A_141 = arith.constant 0 : i32
    %dma_wait3A_142 = tpu.memref_slice %arg5[%dma_wait3A_141] : memref<1000000xf32, #tpu.memory_space<vmem_shared>> -> memref<1000000xf32, #tpu.memory_space<vmem_shared>>
    tpu.wait_indirect_dma semaphore(%arg10 : memref<!tpu.dma_semaphore, #tpu.memory_space<semaphore_mem>>) src(%dma_wait3A_142 : memref<1000000xf32, #tpu.memory_space<vmem_shared>>) dst(%arg8 : memref<12800xf32, #tpu.memory_space<vmem>>)
    %add3A_143 = arith.constant 76800 : i32
    %add3A_144 = arith.addi %mul3A_2, %add3A_143 : i32
    %dma_start3A_145 = tpu.memref_slice %arg4[%add3A_144] : memref<3276800xf32, #tpu.memory_space<hbm>> -> memref<12800xf32, #tpu.memory_space<hbm>>
    %dma_start3A_146 = tpu.memref_slice %arg4[%add3A_144] : memref<3276800xf32, #tpu.memory_space<hbm>> -> memref<12800xf32, #tpu.memory_space<hbm>>
    tpu.enqueue_dma source(%arg8 : memref<12800xf32, #tpu.memory_space<vmem>>) target(%dma_start3A_146 : memref<12800xf32, #tpu.memory_space<hbm>>) target_semaphore(%arg12 : memref<!tpu.dma_semaphore, #tpu.memory_space<semaphore_mem>>)
    %dma_wait3A_147 = arith.constant 0 : i32
    %dma_wait3A_148 = tpu.memref_slice %arg5[%dma_wait3A_147] : memref<1000000xf32, #tpu.memory_space<vmem_shared>> -> memref<1000000xf32, #tpu.memory_space<vmem_shared>>
    tpu.wait_indirect_dma semaphore(%arg11 : memref<!tpu.dma_semaphore, #tpu.memory_space<semaphore_mem>>) src(%dma_wait3A_148 : memref<1000000xf32, #tpu.memory_space<vmem_shared>>) dst(%arg9 : memref<12800xf32, #tpu.memory_space<vmem>>)
    %add3A_149 = arith.constant 89600 : i32
    %add3A_150 = arith.addi %mul3A_2, %add3A_149 : i32
    %dma_start3A_151 = tpu.memref_slice %arg4[%add3A_150] : memref<3276800xf32, #tpu.memory_space<hbm>> -> memref<12800xf32, #tpu.memory_space<hbm>>
    %dma_start3A_152 = tpu.memref_slice %arg4[%add3A_150] : memref<3276800xf32, #tpu.memory_space<hbm>> -> memref<12800xf32, #tpu.memory_space<hbm>>
    tpu.enqueue_dma source(%arg9 : memref<12800xf32, #tpu.memory_space<vmem>>) target(%dma_start3A_152 : memref<12800xf32, #tpu.memory_space<hbm>>) target_semaphore(%arg13 : memref<!tpu.dma_semaphore, #tpu.memory_space<semaphore_mem>>)
    %dma_wait3A_153 = tpu.memref_slice %arg4[%add3A_144] : memref<3276800xf32, #tpu.memory_space<hbm>> -> memref<12800xf32, #tpu.memory_space<hbm>>
    %dma_wait3A_154 = tpu.memref_slice %arg4[%add3A_144] : memref<3276800xf32, #tpu.memory_space<hbm>> -> memref<12800xf32, #tpu.memory_space<hbm>>
    tpu.wait_dma2 semaphore(%arg12 : memref<!tpu.dma_semaphore, #tpu.memory_space<semaphore_mem>>) src(%arg8 : memref<12800xf32, #tpu.memory_space<vmem>>) dst(%dma_wait3A_154 : memref<12800xf32, #tpu.memory_space<hbm>>)
    %dma_wait3A_155 = tpu.memref_slice %arg4[%add3A_150] : memref<3276800xf32, #tpu.memory_space<hbm>> -> memref<12800xf32, #tpu.memory_space<hbm>>
    %dma_wait3A_156 = tpu.memref_slice %arg4[%add3A_150] : memref<3276800xf32, #tpu.memory_space<hbm>> -> memref<12800xf32, #tpu.memory_space<hbm>>
    tpu.wait_dma2 semaphore(%arg13 : memref<!tpu.dma_semaphore, #tpu.memory_space<semaphore_mem>>) src(%arg9 : memref<12800xf32, #tpu.memory_space<vmem>>) dst(%dma_wait3A_156 : memref<12800xf32, #tpu.memory_space<hbm>>)
    return
  }
}

module attributes {stable_mosaic.version = 14 : i64} {
  func.func @_tc_head_body(%arg0: i32, %arg1: memref<16x131072xf32, #tpu.memory_space<vmem>>, %arg2: memref<1x16xf32, #tpu.memory_space<vmem>>, %arg3: memref<1x1xf32, #tpu.memory_space<smem>>, %arg4: memref<131072xf32, #tpu.memory_space<vmem>>) attributes {dimension_semantics = [#tpu.dimension_semantics<arbitrary>], iteration_bounds = array<i64: 8>, scalar_prefetch = 0 : i64, scratch_operands = 0 : i64, tpu.core_type = #tpu.core_type<tc>, window_params = [{transform_indices = @transform_0, window_bounds = array<i64: 16, 131072>}, {pipeline_mode = #tpu.pipeline_mode<synchronous>, transform_indices = @transform_1, window_bounds = array<i64: 1, 16>}, {transform_indices = @transform_2, window_bounds = array<i64: 1, 1>}, {transform_indices = @transform_3, window_bounds = array<i64: 131072>}]} {
    %get3A = arith.constant 0 : index
    %get3A_0 = arith.constant 0 : index
    %get3A_1 = vector.load %arg2[%get3A, %get3A_0] : memref<1x16xf32, #tpu.memory_space<vmem>>, vector<1x16xf32>
    %get3A_2 = arith.constant 0 : index
    %get3A_3 = arith.constant 0 : index
    %get3A_4 = vector.load %arg1[%get3A_2, %get3A_3] : memref<16x131072xf32, #tpu.memory_space<vmem>>, vector<16x131072xf32>
    %dot_general3A = arith.constant dense<0.000000e+00> : vector<1x131072xf32>
    %dot_general3A_5 = tpu.matmul %get3A_1, %get3A_4, %dot_general3A {dimension_numbers = #tpu.dot_dimension_numbers<[1], [0], [0], [1], [0, 0, 1, 1], [], []>, transpose_lhs_hint = false} : vector<1x16xf32>, vector<16x131072xf32>, vector<1x131072xf32> -> vector<1x131072xf32>
    %squeeze3A = vector.shape_cast %dot_general3A_5 : vector<1x131072xf32> to vector<131072xf32>
    %get3A_6 = arith.constant 0 : index
    %get3A_7 = arith.constant 0 : index
    %get3A_8 = memref.load %arg3[%get3A_6, %get3A_7] : memref<1x1xf32, #tpu.memory_space<smem>>
    %add3A = vector.broadcast %get3A_8 : f32 to vector<131072xf32>
    %add3A_9 = arith.addf %squeeze3A, %add3A : vector<131072xf32>
    %swap3A = arith.constant 0 : index
    %swap3A_10 = vector.load %arg4[%swap3A] : memref<131072xf32, #tpu.memory_space<vmem>>, vector<131072xf32>
    tpu.vector_store %arg4[%swap3A], %add3A_9 {strides = array<i32>} : memref<131072xf32, #tpu.memory_space<vmem>>, vector<131072xf32>,
    return
  }
  func.func @transform_0(%arg0: i32) -> (i32, i32) {
    %c0_i32 = arith.constant 0 : i32
    %c0_i32_0 = arith.constant 0 : i32
    return %c0_i32, %arg0 : i32, i32
  }
  func.func @transform_1(%arg0: i32) -> (i32, i32) {
    %c0_i32 = arith.constant 0 : i32
    %c0_i32_0 = arith.constant 0 : i32
    %c0_i32_1 = arith.constant 0 : i32
    return %c0_i32, %c0_i32_0 : i32, i32
  }
  func.func @transform_2(%arg0: i32) -> (i32, i32) {
    %c0_i32 = arith.constant 0 : i32
    %c0_i32_0 = arith.constant 0 : i32
    %c0_i32_1 = arith.constant 0 : i32
    return %c0_i32, %c0_i32_0 : i32, i32
  }
  func.func @transform_3(%arg0: i32) -> i32 {
    %c0_i32 = arith.constant 0 : i32
    return %arg0 : i32
  }
}

module attributes {stable_mosaic.version = 14 : i64} {
  func.func @_tc_pool_body(%arg0: i32, %arg1: memref<409600xf32, #tpu.memory_space<vmem>>, %arg2: memref<16384xf32, #tpu.memory_space<vmem>>) attributes {dimension_semantics = [#tpu.dimension_semantics<arbitrary>], iteration_bounds = array<i64: 8>, scalar_prefetch = 0 : i64, scratch_operands = 0 : i64, tpu.core_type = #tpu.core_type<tc>, window_params = [{transform_indices = @transform_0, window_bounds = array<i64: 409600>}, {pipeline_mode = #tpu.pipeline_mode<synchronous>, transform_indices = @transform_1, window_bounds = array<i64: 16384>}]} {
    %get3A = arith.constant 0 : index
    %get3A_0 = vector.load %arg1[%get3A] : memref<409600xf32, #tpu.memory_space<vmem>>, vector<409600xf32>
    %reshape3A = vector.shape_cast %get3A_0 : vector<409600xf32> to vector<25x16384xf32>
    %reduce_sum3A = arith.constant dense<0.000000e+00> : vector<16384xf32>
    %reduce_sum3A_1 = vector.multi_reduction <add>, %reshape3A, %reduce_sum3A [0] : vector<25x16384xf32> to vector<16384xf32>
    %eq3A = arith.constant 0 : i32
    %eq3A_2 = arith.cmpi eq, %arg0, %eq3A : i32
    %convert_element_type3A = arith.extui %eq3A_2 : i1 to i32
    %cond3A = arith.constant 0 : i32
    %cond3A_3 = arith.cmpi ne, %convert_element_type3A, %cond3A : i32
    scf.if %cond3A_3 {
      %swap3A = arith.constant 0 : index
      %swap3A_13 = vector.load %arg2[%swap3A] : memref<16384xf32, #tpu.memory_space<vmem>>, vector<16384xf32>
      tpu.vector_store %arg2[%swap3A], %reduce_sum3A_1 {strides = array<i32>} : memref<16384xf32, #tpu.memory_space<vmem>>, vector<16384xf32>,
    } else {
    }
    %gt3A = arith.constant 0 : i32
    %gt3A_4 = arith.cmpi sgt, %arg0, %gt3A : i32
    %convert_element_type3A_5 = arith.extui %gt3A_4 : i1 to i32
    %cond3A_6 = arith.constant 0 : i32
    %cond3A_7 = arith.cmpi ne, %convert_element_type3A_5, %cond3A_6 : i32
    scf.if %cond3A_7 {
      %get3A_13 = arith.constant 0 : index
      %get3A_14 = vector.load %arg2[%get3A_13] : memref<16384xf32, #tpu.memory_space<vmem>>, vector<16384xf32>
      %add3A = arith.addf %get3A_14, %reduce_sum3A_1 : vector<16384xf32>
      %swap3A = arith.constant 0 : index
      %swap3A_15 = vector.load %arg2[%swap3A] : memref<16384xf32, #tpu.memory_space<vmem>>, vector<16384xf32>
      tpu.vector_store %arg2[%swap3A], %add3A {strides = array<i32>} : memref<16384xf32, #tpu.memory_space<vmem>>, vector<16384xf32>,
    } else {
    }
    %eq3A_8 = arith.constant 7 : i32
    %eq3A_9 = arith.cmpi eq, %arg0, %eq3A_8 : i32
    %convert_element_type3A_10 = arith.extui %eq3A_9 : i1 to i32
    %cond3A_11 = arith.constant 0 : i32
    %cond3A_12 = arith.cmpi ne, %convert_element_type3A_10, %cond3A_11 : i32
    scf.if %cond3A_12 {
      %get3A_13 = arith.constant 0 : index
      %get3A_14 = vector.load %arg2[%get3A_13] : memref<16384xf32, #tpu.memory_space<vmem>>, vector<16384xf32>
      %neg3A = arith.constant 0.000000e+00 : f32
      %neg3A_15 = vector.broadcast %neg3A : f32 to vector<16384xf32>
      %neg3A_16 = arith.subf %neg3A_15, %get3A_14 : vector<16384xf32>
      %exp3A = math.exp %neg3A_16 : vector<16384xf32>
      %add3A = arith.constant 1.000000e+00 : f32
      %add3A_17 = vector.broadcast %add3A : f32 to vector<16384xf32>
      %add3A_18 = arith.addf %add3A_17, %exp3A : vector<16384xf32>
      %div3A = arith.constant 1.000000e+00 : f32
      %div3A_19 = vector.broadcast %div3A : f32 to vector<16384xf32>
      %div3A_20 = arith.divf %div3A_19, %add3A_18 : vector<16384xf32>
      %mul3A = arith.constant 1.000000e+04 : f32
      %mul3A_21 = vector.broadcast %mul3A : f32 to vector<16384xf32>
      %mul3A_22 = arith.mulf %div3A_20, %mul3A_21 : vector<16384xf32>
      %round3A = math.roundeven %mul3A_22 : vector<16384xf32>
      %div3A_23 = arith.constant 1.000000e+04 : f32
      %div3A_24 = vector.broadcast %div3A_23 : f32 to vector<16384xf32>
      %div3A_25 = arith.divf %round3A, %div3A_24 : vector<16384xf32>
      %swap3A = arith.constant 0 : index
      %swap3A_26 = vector.load %arg2[%swap3A] : memref<16384xf32, #tpu.memory_space<vmem>>, vector<16384xf32>
      tpu.vector_store %arg2[%swap3A], %div3A_25 {strides = array<i32>} : memref<16384xf32, #tpu.memory_space<vmem>>, vector<16384xf32>,
    } else {
    }
    return
  }
  func.func @transform_0(%arg0: i32) -> i32 {
    %c0_i32 = arith.constant 0 : i32
    return %arg0 : i32
  }
  func.func @transform_1(%arg0: i32) -> i32 {
    %c0_i32 = arith.constant 0 : i32
    %c0_i32_0 = arith.constant 0 : i32
    return %c0_i32 : i32
  }
}

</mosaic_0001>

<sc_bundles>
// kernel: kernel.5.cloned.1.call-start
scs
__scs_entry_jumppad:
0x0: {  	(pc) =	sbr.rel $0x88, $3  }
0x1: {  	(tag) =	ssettag $0x0;
	lr =	simm.s32 $0x1  }
0x2: {  	[smem:$0x3F9D] =	sst lr;
	_ =	strace $0xD0000000  }
0x3: {  	_ = 	snop  }
0x4: {  	_ = 	snop  }
0x5: {  	_ = 	snop  }
0x6: {  	_ = 	snop  }
0x7: {  	_ = 	snop  }
__scs_overlays_trampoline_lowered:
0x8: {  	[smem:$0x3FAC] =	sst s0  }
0x9: {  	[smem:$0x3FAD] =	sst s1  }
0xa: {  	[smem:$0x3FAE] =	sst s2  }
0xb: {  	[smem:$0x3FAF] =	sst s3  }
0xc: {  	[smem:$0x3FB0] =	sst s4  }
0xd: {  	[smem:$0x3FB1] =	sst s5  }
0xe: {  	[smem:$0x3FB2] =	sst s6  }
0xf: {  	[smem:$0x3FB3] =	sst s7  }
0x10: {  	[smem:$0x3FB4] =	sst s8  }
0x11: {  	[smem:$0x3FB5] =	sst s9;
	s0 =	simm.s32 @!p0 $0x0  }
0x12: {  	s1 =	sld [smem:$0x3F9B];
	s0 =	simm.s32 @p0 $0x1  }
0x13: {  	[smem:$0x3FB6] =	sst s0;
	s0 =	simm.s32 @!p1 $0x0  }
0x14: {  	s2 =	sld [smem:$0x3F9A];
	s0 =	simm.s32 @p1 $0x1  }
0x15: {  	[smem:$0x3FB7] =	sst s0;
	s0 =	simm.s32 @!p2 $0x0  }
0x16: {  	s3 =	sld [smem:$0x3FDB];
	s0 =	simm.s32 @p2 $0x1  }
0x17: {  	s4 =	simm.s32 $0x1BF5;
	[smem:$0x3FB9] =	sst s0  }
0x18: {  	s0 =	sld [smem:$0x3F9C];
	_ =	swait.ge [sflag:s4], $0x0  }
0x19: {  	s7 =	sld [smem:$0x3F9D]  }
0x1a: {  	s8 =	sadd.s32 $0xFFFFE003, lr  }
0x1b: {  	s9 =	sadd.s32 $0xFFFFFEF7, lr;
	s5 =	simm.s32 $0xFFFFFFFF;
	p2 =	slt.u32 s8, $0xFFFFF086  }
0x1c: {  	p1 =	slt.u32 s9, $0xF7A;
	s5 =	simm.s32 @!p2 $0x0  }
0x1d: {  	s5 =	simm.s32 @p1 $0x1;
	p0 =	seq.s32 s7, s2  }
0x1e: {  	s7 =	smul.u32 @!p0 $0xF7A, s2;
	p2 =	seq.s32 @!p0 s5, $0x0  }
0x1f: {  	s9 =	smul.u32 $0xF7A, s1;
	s8 =	simm.s32 @!p0 $0x1BF5;
	p2 =	por !p2, p0  }
0x20: {  	[sflag:s8] =	ssyncset.s32 @!p0 $0xFFFFF086;
	s6 =	sadd.s32 @!p0 s3, s7;
	s7 =	simm.s32 @!p0 $0x108  }
0x21: {  	s3 =	sadd.s32 s3, s9;
	s6 =	sadd.s32 @!p0 $0x88, s6;
	s7 =	simm.s32 @p2 $0x1082  }
0x22: {  	[simem:s7], [sflag:s8] =	dma.local @!p0 [hbm:s6], $0xF7A  }
0x23: {  	s9 =	sor.u32 $0xD0000000, s2;
	s6 =	simm.s32 $0x108;
	_ =	swait.ge @!p0 [sflag:s8], $0x0  }
0x24: {  	s3 =	sadd.s32 $0x88, s3;
	s6 =	simm.s32 @!p1 $0x1082;
	[sflag:s4] =	ssyncset.s32 $0xFFFFF086  }
0x25: {  	[simem:s6], [sflag:s4] =	dma.local [hbm:s3], $0xF7A  }
0x26: {  	[smem:$0x3F9D] =	sst s1;
	(tag) =	ssettag s2;
	_ =	strace s9  }
0x27: {  	s1 =	sld [smem:$0x3FAD]  }
0x28: {  	s2 =	sld [smem:$0x3FAE]  }
0x29: {  	s4 =	sld [smem:$0x3FB0]  }
0x2a: {  	p0 =	seq.s32 s5, $0x0;
	s5 =	sld [smem:$0x3FB1]  }
0x2b: {  	s6 =	sld [smem:$0x3FB2]  }
0x2c: {  	s7 =	sld [smem:$0x3FB3]  }
0x2d: {  	s3 =	simm.s32 $0x108;
	s8 =	sld [smem:$0x3FB4]  }
0x2e: {  	s3 =	simm.s32 @!p0 $0x1082;
	s9 =	sld [smem:$0x3FB5]  }
0x2f: {  	lr =	sadd.s32 s0, s3;
	s0 =	sld [smem:$0x3FAC]  }
0x30: {  	s3 =	sld [smem:$0x3FAF]  }
0x31: {  	[smem:$0x3FB8] =	sst s10  }
0x32: {  	s10 =	sld [smem:$0x3FB6];
	_ =	sdelay $0x3  }
0x33: {  	p0 =	seq.s32 s10, $0x1;
	s10 =	sld [smem:$0x3FB8];
	_ =	sdelay $0x3  }
0x34: {  	[smem:$0x3FB8] =	sst s10  }
0x35: {  	s10 =	sld [smem:$0x3FB7];
	_ =	sdelay $0x3  }
0x36: {  	p1 =	seq.s32 s10, $0x1;
	s10 =	sld [smem:$0x3FB8];
	_ =	sdelay $0x3  }
0x37: {  	[smem:$0x3FB8] =	sst s10  }
0x38: {  	s10 =	sld [smem:$0x3FB9]  }
0x39: {  	_ = 	snop;
	(pc) =	sbr.ind lr, $3  }
0x3a: {  	_ = 	snop  }
0x3b: {  	_ = 	snop  }
0x3c: {  	p2 =	seq.s32 s10, $0x1;
	s10 =	sld [smem:$0x3FB8]  }
0x3d: {  	_ =	shalt  }
0x3e: {  	_ =	shalt  }
0x3f: {  	_ =	shalt  }
0x40: {  	_ =	shalt  }
0x41: {  	_ =	shalt  }
0x42: {  	_ =	shalt  }
0x43: {  	_ =	shalt  }
0x44: {  	_ =	shalt  }
0x45: {  	_ =	shalt  }
0x46: {  	_ =	shalt  }
0x47: {  	_ =	shalt  }
0x48: {  	_ =	shalt  }
0x49: {  	_ =	shalt  }
0x4a: {  	_ =	shalt  }
0x4b: {  	_ =	shalt  }
0x4c: {  	_ =	shalt  }
0x4d: {  	_ =	shalt  }
0x4e: {  	_ =	shalt  }
0x4f: {  	_ =	shalt  }
0x50: {  	_ =	shalt  }
0x51: {  	_ =	shalt  }
0x52: {  	_ =	shalt  }
0x53: {  	_ =	shalt  }
0x54: {  	_ =	shalt  }
0x55: {  	_ =	shalt  }
0x56: {  	_ =	shalt  }
0x57: {  	_ =	shalt  }
0x58: {  	_ =	shalt  }
0x59: {  	_ =	shalt  }
0x5a: {  	_ =	shalt  }
0x5b: {  	_ =	shalt  }
0x5c: {  	_ =	shalt  }
0x5d: {  	_ =	shalt  }
0x5e: {  	_ =	shalt  }
0x5f: {  	_ =	shalt  }
0x60: {  	_ =	shalt  }
0x61: {  	_ =	shalt  }
0x62: {  	_ =	shalt  }
0x63: {  	_ =	shalt  }
0x64: {  	_ =	shalt  }
0x65: {  	_ =	shalt  }
0x66: {  	_ =	shalt  }
0x67: {  	_ =	shalt  }
0x68: {  	_ =	shalt  }
0x69: {  	_ =	shalt  }
0x6a: {  	_ =	shalt  }
0x6b: {  	_ =	shalt  }
0x6c: {  	_ =	shalt  }
0x6d: {  	_ =	shalt  }
0x6e: {  	_ =	shalt  }
0x6f: {  	_ =	shalt  }
0x70: {  	_ =	shalt  }
0x71: {  	_ =	shalt  }
0x72: {  	_ =	shalt  }
0x73: {  	_ =	shalt  }
0x74: {  	_ =	shalt  }
0x75: {  	_ =	shalt  }
0x76: {  	_ =	shalt  }
0x77: {  	_ =	shalt  }
0x78: {  	_ =	shalt  }
0x79: {  	_ =	shalt  }
0x7a: {  	_ =	shalt  }
0x7b: {  	_ =	shalt  }
0x7c: {  	_ =	shalt  }
0x7d: {  	_ =	shalt  }
0x7e: {  	_ =	shalt  }
0x7f: {  	_ =	shalt  }
0x80: {  	_ =	shalt  }
0x81: {  	_ =	shalt  }
0x82: {  	_ =	shalt  }
0x83: {  	_ =	shalt  }
0x84: {  	_ =	shalt  }
0x85: {  	_ =	shalt  }
0x86: {  	_ =	shalt  }
0x87: {  	_ =	shalt  }
.Lfunc_end0:
.L_simem_size_0:
called_computation_lowered:
.L_overlay_start_0:
0x88: {  	s2 =	sld [smem:$0x3FD9]  }
0x89: {  	s3 =	sld [smem:$0x3FFE];
	_ =	sdelay $0x1  }
0x8a: {  	s1 =	srdreg.scid  }
0x8b: {  	s0 =	sand.u32 $0x1, s1  }
0x8c: {  	s16 =	sshll.u32 s0, $0xA;
	s2 =	sadd.s32 s3, s2  }
0x8d: {  	s2 =	sadd.s32 s2, s16  }
0x8e: {  	[smem:$0x3FC4] =	sst s2  }
0x8f: {  	_ = 	snop  }
0x90: {  	(tm) =	ssettm $0x1  }
0x91: {  	s17 =	sld [smem:$0x3FFB];
	_ =	sdelay $0x3  }
0x92: {  	_ =	strace s17  }
0x93: {  	s2 =	sld [smem:$0x3FFC];
	_ =	sdelay $0x3  }
0x94: {  	_ =	strace s2  }
0x95: {  	s2 =	sld [smem:$0x3FFD];
	_ =	sdelay $0x3  }
0x96: {  	_ =	strace s2  }
0x97: {  	_ =	strace $0x8FFFFFFF  }
0x98: {  	s18 =	sld [smem:$0x3FDB];
	_ =	sdelay $0x1  }
0x99: {  	s19 =	simm.s32 $_scs_section_size  }
0x9a: {  	s4 =	simm.s32 $_size__tile_overlayer_lowered;
	s5 =	simm.s32 $_tile_overlayer_lowered  }
0x9b: {  	s22 =	simm.s32 $0x1BFF;
	s21 =	sshll.u32 s5, $0x1;
	s2 =	sadd.s32 s19, s18  }
0x9c: {  	s6 =	simm.s32 $0x0;
	s20 =	sshll.u32 s4, $0x1;
	s4 =	sadd.s32 s21, s2  }
0x9d: {  	[timem:s6], [sflag:s22] =	dma.local [hbm:s4], s20  }
0x9e: {  	_ =	swait.ge [sflag:s22], s20  }
0x9f: {  	s3 =	ssub.s32 $0x0, s20;
	[sflag:s22] =	ssyncset.done $0x0  }
0xa0: {  	[sflag:s22] =	ssyncadd.s32 s3;
	_ =	sdelay $0x1  }
0xa1: {  	s23 =	simm.s32 $0x1B8B  }
0xa2: {  	_ =	swait.ge [sflag:s23], $0x1  }
0xa3: {  	[sflag:s23] =	ssyncset.done $0x0  }
0xa4: {  	s25 =	simm.s32 $0x1B8E;
	s24 =	sld [smem:$0x3FFE];
	[sflag:s23] =	ssyncadd.s32 $0xFFFFFFFF  }
0xa5: {  	s26 =	simm.s32 $execute0_lowered;
	[smem:$0x3FD2] =	sst s25  }
0xa6: {  	s4 =	sshll.u32 s26, $0x1;
	_ =	strace $0x80000046;
	[dreg:$0x1] =	wrdreg $0xFFFFFFFF  }
0xa7: {  	s28 =	simm.s32 $_size_execute0_lowered;
	s2 =	sadd.s32 s2, s4;
	[dreg:$0x0] =	wrdreg $0x0  }
0xa8: {  	s4 =	sshll.u32 s28, $0x1;
	[dreg:$0x2] =	wrdreg s2  }
0xa9: {  	[dreg:$0x3] =	wrdreg s4  }
0xaa: {  	[dreg:$0x4] =	wrdreg $0xC0  }
0xab: {  	_ =	task [dreg:s6], $0x5FFFF  }
0xac: {  	[dreg:$0x1] =	wrdreg $0xFFFFFFFF  }
0xad: {  	[dreg:$0x0] =	wrdreg $0x60  }
0xae: {  	[dreg:$0x2] =	wrdreg s24  }
0xaf: {  	[dreg:$0x3] =	wrdreg $0x0  }
0xb0: {  	[dreg:$0x4] =	wrdreg $0x9  }
0xb1: {  	_ =	task.clear_ibuf [dreg:s6], $0x5FFFF;
	_ =	strace $0x90000046  }
0xb2: {  	s29 =	simm.s32 $0x9;
	_ =	strace $0x80000048  }
0xb3: {  	_ =	swait.ge [sflag:s29], $0x1  }
0xb4: {  	[sflag:s29] =	ssyncadd.s32 $0xFFFFFFFF  }
0xb5: {  	_ =	strace $0x90000048  }
0xb6: {  	_ =	sfence  }
0xb7: {  	s30 =	sld [smem:$0x0];
	_ =	sdelay $0x2  }
0xb8: {  	s31 =	sshll.u32 s1, $0xD;
	s1 =	sshrl.u32 s1, $0x2  }
0xb9: {  	s3 =	sand.u32 $0x4000, s31;
	s1 =	sadd.s32 s1, s30  }
0xba: {  	s0 =	sor.u32 s3, s0;
	s1 =	sshll.u32 s1, $0x11  }
0xbb: {  	s0 =	sor.u32 s1, s0  }
0xbc: {  	s0 =	sadd.s32 $0x8F2B, s0  }
0xbd: {  	[sflag:s0] =	ssyncadd.remote.s32 $0x1  }
0xbe: {  	_ =	sfence.sel $0xFFFF  }
0xbf: {  	[dreg:$0x0] =	wrdreg $0xFFFFFFFF;
	(pc) =	sbr.abs _section_cstart, $3  }
0xc0: {  	[dreg:$0x1] =	wrdreg $0xFFFFFFFF  }
0xc1: {  	_ =	task.clear_ibuf [dreg:s6], $0x2FFFF;
	_ =	strace $0x9FFFFFFF  }
0xc2: {  	(tm) =	ssettm $0x7FFFFFFF  }
0xc3: {  	_ =	shalt  }
tec
execute0_lowered:
.L_overlay_start_1:
0x0: {  	(tag) =	ssettag $0x1  }
0x1: {  	s1 =	rddreg [dreg:$0x0]  }
0x2: {  	s3 =	rddreg [dreg:$0x1]  }
0x3: {  	s28 =	rddreg [dreg:$0x2]  }
0x4: {  	s2 =	simm.s32 $0x0;
	s31 =	stileid.u32;
	s5 =	srdreg.scid  }
0x5: {  	p1 =	por $0x0, $0x0;
	[smem:$0x7FF] =	sst s2;
	s4 =	sadd.s32 $0x64800, s1  }
0x6: {  	s0 =	sadd.s32 $0x800, s1;
	s6 =	smul.u32 $0x2710, s31;
	s1 =	sadd.s32 $0x83200, s1  }
0x7: {  	s5 =	sand.u32 $0x1, s5;
	s7 =	sshll.u32 s31, $0x1;
	p0 =	sgt.u32 s31, $0x3  }
0x8: {  	_ =	strace $0x80000047;
	s8 =	ssub.s32 $0x2, s5;
	s5 =	sor.u32 s5, s7  }
0x9: {  	s21 =	sshrl.u32 s6, $0x3;
	s5 =	smul.u32 $0x19000, s5;
	s9 =	sadd.s32 $0x27100, s6  }
0xa: {  	s22 =	sadd.s32 s6, s3;
	s24 =	sadd.s32 $0x4E200, s6;
	s12 =	sadd.s32 $0x75300, s6  }
0xb: {  	s16 =	sadd.s32 $0x9C400, s6;
	s20 =	sadd.s32 $0xC3500, s6;
	s6 =	sadd.s32 $0xEA600, s6  }
0xc: {  	s7 =	sadd.s32 s4, s21;
	s10 =	sshrl.u32 s9, $0x3;
	[dreg:$0x4] =	wrdreg s22  }
0xd: {  	s25 =	sadd.s32 s9, s3;
	s26 =	sshrl.u32 s24, $0x3;
	[dreg:$0x3] =	wrdreg s7  }
0xe: {  	s13 =	sadd.s32 s24, s3;
	s14 =	sshrl.u32 s12, $0x3;
	[dreg:$0x6] =	wrdreg s25  }
0xf: {  	s17 =	sadd.s32 s12, s3;
	s18 =	sshrl.u32 s16, $0x3;
	[dreg:$0x8] =	wrdreg s13  }
0x10: {  	s21 =	sadd.s32 s16, s3;
	s22 =	sshrl.u32 s20, $0x3;
	[dreg:$0xa] =	wrdreg s17  }
0x11: {  	s24 =	sadd.s32 s20, s3;
	s23 =	sadd.s32 s4, s10;
	[dreg:$0xc] =	wrdreg s21  }
0x12: {  	s11 =	sadd.s32 s4, s26;
	s15 =	sadd.s32 s4, s14;
	[dreg:$0xe] =	wrdreg s24  }
0x13: {  	s19 =	sadd.s32 s4, s18;
	s25 =	sshrl.u32 s6, $0x3;
	[dreg:$0x5] =	wrdreg s23  }
0x14: {  	s26 =	sshrl.u32 s8, $0x1;
	s6 =	sadd.s32 s6, s3;
	[dreg:$0x7] =	wrdreg s11  }
0x15: {  	s5 =	sshrl.u32 s5, $0x3;
	s10 =	simm.s32 $0x2;
	[dreg:$0x9] =	wrdreg s15  }
0x16: {  	[dreg:$0xb] =	wrdreg s19;
	s23 =	sadd.s32 s4, s22;
	s4 =	sadd.s32 s4, s25  }
0x17: {  	[dreg:$0x10] =	wrdreg s6;
	s7 =	sadd.s32 s0, s5;
	s9 =	sadd.s32 $0x640, s5  }
0x18: {  	s11 =	ssub.s32 s8, s26;
	s13 =	sadd.s32 s1, s5;
	s29 =	rddreg [dreg:$0x3]  }
0x19: {  	s14 =	sadd.s32 $0xC80, s5;
	s16 =	sadd.s32 $0x12C0, s5;
	[dreg:$0xd] =	wrdreg s23  }
0x1a: {  	s17 =	sadd.s32 $0x1900, s5;
	s18 =	sadd.s32 $0x1F40, s5;
	[dreg:$0xf] =	wrdreg s4  }
0x1b: {  	s20 =	sadd.s32 $0x2580, s5;
	s5 =	sadd.s32 $0x2BC0, s5;
	[dreg:$0x11] =	wrdreg s7  }
0x1c: {  	s12 =	sadd.s32 s0, s9;
	s30 =	sadd.s32 s1, s9;
	s24 =	sadd.s32 s1, s14  }
0x1d: {  	s23 =	sadd.s32 s0, s17;
	s22 =	sadd.s32 s1, s16;
	s19 =	sadd.s32 s1, s17  }
0x1e: {  	s17 =	sadd.s32 s1, s18;
	s4 =	sadd.s32 s1, s5;
	s26 =	smax.u32 s11, $0x1  }
0x1f: {  	[dreg:$0x12] =	wrdreg s12;
	s12 =	sadd.s32 s1, s20;
	s1 =	sadd.s32 $0xFFFFFFFF, s26  }
0x20: {  	s8 =	simm.s32 $0x18A28;
	[dreg:$0x13] =	wrdreg s13;
	p2 =	sne.s32 s1, $0x0  }
.Ltmp0:
0x21: {  	s15 =	sadd.s32 s0, s14;
	s25 =	sadd.s32 s0, s16;
	(pc) =	sbr.rel @!p2 .LBB2_1-.Ltmp0, $4  }
0x22: {  	s21 =	sadd.s32 s0, s18;
	s14 =	sadd.s32 s0, s20;
	s13 =	sadd.s32 s0, s5  }
0x23: {  	s9 =	simm.s32 $0x15828;
	s11 =	simm.s32 $0x1;
	s7 =	simm.s32 $0x3  }
0x24: {  	s5 =	simm.s32 $0x4;
	s16 =	simm.s32 $0x3200;
	s18 =	simm.s32 $0x12628  }
0x25: {  	[dreg:$0x14] =	wrdreg s15;
	s20 =	simm.s32 $0xF428;
	s15 =	simm.s32 $0x5  }
0x26: {  	[tilespmem:s9], [sflag:$0x1] =	stream.linear.gather [hbm4b:s29+s2], $0x2710, $0x38;
	[tilespmem:$0x1BC28] =	vst v63  }
0x27: {  	_ =	swait.ge [sflag:s11], $0x2710  }
0x28: {  	[sflag:s11] =	ssyncset.done $0x0  }
0x29: {  	s0 =	rddreg [dreg:$0x4];
	[sflag:s11] =	ssyncadd.s32 $0xFFFFD8F0  }
0x2a: {  	[spmem:s0] =	stream.linear.scatter [tilespmem:s9], [sflag:$0x3], $0x2710, $0x38;
	[tilespmem:$0x1BC28] =	vst v63  }
0x2b: {  	s26 =	rddreg [dreg:$0x5]  }
0x2c: {  	[tilespmem:s8], [sflag:$0x2] =	stream.linear.gather [hbm4b:s26+s2], $0x2710, $0x38;
	[tilespmem:$0x1BC28] =	vst v63  }
0x2d: {  	_ =	swait.ge [sflag:s10], $0x2710  }
0x2e: {  	[sflag:s10] =	ssyncset.done $0x0  }
0x2f: {  	s6 =	rddreg [dreg:$0x6];
	[sflag:s10] =	ssyncadd.s32 $0xFFFFD8F0  }
0x30: {  	[spmem:s6] =	stream.linear.scatter [tilespmem:s8], [sflag:$0x4], $0x2710, $0x38;
	[tilespmem:$0x1BC28] =	vst v63  }
0x31: {  	_ =	swait.ge [sflag:s7], $0x2710  }
0x32: {  	[sflag:s7] =	ssyncset.done $0x0  }
0x33: {  	s26 =	rddreg [dreg:$0x7];
	[sflag:s7] =	ssyncadd.s32 $0xFFFFD8F0  }
0x34: {  	[tilespmem:s9], [sflag:$0x1] =	stream.linear.gather [hbm4b:s26+s2], $0x2710, $0x38;
	[tilespmem:$0x1BC28] =	vst v63  }
0x35: {  	_ =	swait.ge [sflag:s11], $0x2710  }
0x36: {  	[sflag:s11] =	ssyncset.done $0x0  }
0x37: {  	s6 =	rddreg [dreg:$0x8];
	[sflag:s11] =	ssyncadd.s32 $0xFFFFD8F0  }
0x38: {  	[spmem:s6] =	stream.linear.scatter [tilespmem:s9], [sflag:$0x3], $0x2710, $0x38;
	[tilespmem:$0x1BC28] =	vst v63  }
0x39: {  	_ =	swait.ge [sflag:s5], $0x2710  }
0x3a: {  	[sflag:s5] =	ssyncset.done $0x0  }
0x3b: {  	s26 =	rddreg [dreg:$0x9];
	[sflag:s5] =	ssyncadd.s32 $0xFFFFD8F0  }
0x3c: {  	[tilespmem:s8], [sflag:$0x2] =	stream.linear.gather [hbm4b:s26+s2], $0x2710, $0x38;
	[tilespmem:$0x1BC28] =	vst v63  }
0x3d: {  	_ =	swait.ge [sflag:s10], $0x2710  }
0x3e: {  	[sflag:s10] =	ssyncset.done $0x0  }
0x3f: {  	s6 =	rddreg [dreg:$0xa];
	[sflag:s10] =	ssyncadd.s32 $0xFFFFD8F0  }
0x40: {  	[spmem:s6] =	stream.linear.scatter [tilespmem:s8], [sflag:$0x4], $0x2710, $0x38;
	[tilespmem:$0x1BC28] =	vst v63  }
0x41: {  	_ =	swait.ge [sflag:s7], $0x2710  }
0x42: {  	[sflag:s7] =	ssyncset.done $0x0  }
0x43: {  	s26 =	rddreg [dreg:$0xb];
	[sflag:s7] =	ssyncadd.s32 $0xFFFFD8F0  }
0x44: {  	[tilespmem:s9], [sflag:$0x1] =	stream.linear.gather [hbm4b:s26+s2], $0x2710, $0x38;
	[tilespmem:$0x1BC28] =	vst v63  }
0x45: {  	_ =	swait.ge [sflag:s11], $0x2710  }
0x46: {  	[sflag:s11] =	ssyncset.done $0x0  }
0x47: {  	s6 =	rddreg [dreg:$0xc];
	[sflag:s11] =	ssyncadd.s32 $0xFFFFD8F0  }
0x48: {  	[spmem:s6] =	stream.linear.scatter [tilespmem:s9], [sflag:$0x3], $0x2710, $0x38;
	[tilespmem:$0x1BC28] =	vst v63  }
0x49: {  	_ =	swait.ge [sflag:s5], $0x2710  }
0x4a: {  	[sflag:s5] =	ssyncset.done $0x0  }
0x4b: {  	s26 =	rddreg [dreg:$0xd];
	[sflag:s5] =	ssyncadd.s32 $0xFFFFD8F0  }
0x4c: {  	[tilespmem:s8], [sflag:$0x2] =	stream.linear.gather [hbm4b:s26+s2], $0x2710, $0x38;
	[tilespmem:$0x1BC28] =	vst v63  }
0x4d: {  	_ =	swait.ge [sflag:s10], $0x2710  }
0x4e: {  	s26 =	smov.u32 s17;
	[sflag:s10] =	ssyncset.done $0x0  }
0x4f: {  	s17 =	simm.s32 @!p0 $0x3;
	s6 =	rddreg [dreg:$0xe];
	[sflag:s10] =	ssyncadd.s32 $0xFFFFD8F0  }
0x50: {  	[spmem:s6] =	stream.linear.scatter [tilespmem:s8], [sflag:$0x4], $0x2710, $0x38;
	[tilespmem:$0x1BC28] =	vst v63  }
0x51: {  	_ =	swait.ge @!p0 [sflag:s17], $0x2710  }
0x52: {  	s28 =	simm.s32 @!p0 $0x1;
	s29 =	simm.s32 @!p0 $0x15828;
	[sflag:s17] =	ssyncset.done @!p0 $0x0  }
0x53: {  	s6 =	simm.s32 @!p0 $0x0;
	s0 =	rddreg [dreg:$0xf];
	[sflag:s17] =	ssyncadd.s32 @!p0 $0xFFFFD8F0  }
0x54: {  	[tilespmem:s29], [sflag:$0x1] =	stream.linear.gather @!p0 [hbm4b:s0+s6], $0x2710, $0x38;
	[tilespmem:$0x1BC28] =	vst v63  }
0x55: {  	_ =	swait.ge @!p0 [sflag:s28], $0x2710  }
0x56: {  	[sflag:s28] =	ssyncset.done @!p0 $0x0  }
0x57: {  	s31 =	simm.s32 @!p0 $0x4;
	s0 =	rddreg [dreg:$0x10];
	[sflag:s28] =	ssyncadd.s32 @!p0 $0xFFFFD8F0  }
0x58: {  	[spmem:s0] =	stream.linear.scatter @!p0 [tilespmem:s29], [sflag:$0x3], $0x2710, $0x38;
	[tilespmem:$0x1BC28] =	vst v63  }
0x59: {  	_ =	swait.ge @!p0 [sflag:s31], $0x2710  }
0x5a: {  	s0 =	simm.s32 @!p0 $0x3;
	[sflag:s31] =	ssyncset.done @!p0 $0x0  }
0x5b: {  	s0 =	simm.s32 @p0 $0x4;
	[sflag:s31] =	ssyncadd.s32 @!p0 $0xFFFFD8F0  }
0x5c: {  	_ =	swait.ge [sflag:s0], $0x2710  }
0x5d: {  	[sflag:s0] =	ssyncset.done $0x0  }
0x5e: {  	[sflag:s0] =	ssyncadd.s32 $0xFFFFD8F0  }
0x5f: {  	[bflag:$0x0] =	sbarrier.arrive $0xFFFF  }
0x60: {  	s29 =	rddreg [dreg:$0x11]  }
0x61: {  	[tilespmem:s20], [sflag:$0x5] =	stream.linear.gather [hbm4b:s29+s2], $0x3200, $0x38;
	[tilespmem:$0x1BC28] =	vst v63  }
0x62: {  	_ =	swait.ge [sflag:s15], $0x3200  }
0x63: {  	[sflag:s15] =	ssyncset.done $0x0  }
0x64: {  	[sflag:s15] =	ssyncadd.s32 $0xFFFFCE00  }
0x65: {  	[tilespmem:s9], [sflag:$0x1] =	stream.indirect.gather [spmem:s3], $0x1, s20, s16, $0xb8;
	[tilespmem:$0x1BC28] =	vst v63  }
0x66: {  	s29 =	rddreg [dreg:$0x12]  }
0x67: {  	[tilespmem:s18], [sflag:$0x5] =	stream.linear.gather [hbm4b:s29+s2], $0x3200, $0x38;
	[tilespmem:$0x1BC28] =	vst v63  }
0x68: {  	_ =	swait.ge [sflag:s15], $0x3200  }
0x69: {  	[sflag:s15] =	ssyncset.done $0x0  }
0x6a: {  	[sflag:s15] =	ssyncadd.s32 $0xFFFFCE00  }
0x6b: {  	[tilespmem:s8], [sflag:$0x2] =	stream.indirect.gather [spmem:s3], $0x1, s18, s16, $0xb8;
	[tilespmem:$0x1BC28] =	vst v63  }
0x6c: {  	_ =	swait.ge [sflag:s11], $0x3200  }
0x6d: {  	[sflag:s11] =	ssyncset.done $0x0  }
0x6e: {  	s29 =	rddreg [dreg:$0x13];
	[sflag:s11] =	ssyncadd.s32 $0xFFFFCE00  }
0x6f: {  	[hbm4b:s29+s2] =	stream.linear.scatter [tilespmem:s9], [sflag:$0x3], $0x3200, $0x38;
	[tilespmem:$0x1BC28] =	vst v63  }
0x70: {  	_ =	swait.ge [sflag:s7], $0x3200  }
0x71: {  	[sflag:s7] =	ssyncset.done $0x0  }
0x72: {  	s29 =	rddreg [dreg:$0x14];
	[sflag:s7] =	ssyncadd.s32 $0xFFFFCE00  }
0x73: {  	[tilespmem:s20], [sflag:$0x5] =	stream.linear.gather [hbm4b:s29+s2], $0x3200, $0x38;
	[tilespmem:$0x1BC28] =	vst v63  }
0x74: {  	_ =	swait.ge [sflag:s15], $0x3200  }
0x75: {  	[sflag:s15] =	ssyncset.done $0x0  }
0x76: {  	[sflag:s15] =	ssyncadd.s32 $0xFFFFCE00  }
0x77: {  	[tilespmem:s9], [sflag:$0x1] =	stream.indirect.gather [spmem:s3], $0x1, s20, s16, $0xb8;
	[tilespmem:$0x1BC28] =	vst v63  }
0x78: {  	_ =	swait.ge [sflag:s10], $0x3200  }
0x79: {  	[sflag:s10] =	ssyncset.done $0x0  }
0x7a: {  	[dreg:$0x15] =	wrdreg s30;
	[sflag:s10] =	ssyncadd.s32 $0xFFFFCE00  }
0x7b: {  	[hbm4b:s30+s2] =	stream.linear.scatter [tilespmem:s8], [sflag:$0x4], $0x3200, $0x38;
	[tilespmem:$0x1BC28] =	vst v63  }
0x7c: {  	_ =	swait.ge [sflag:s5], $0x3200  }
0x7d: {  	[sflag:s5] =	ssyncset.done $0x0  }
0x7e: {  	[sflag:s5] =	ssyncadd.s32 $0xFFFFCE00  }
0x7f: {  	[tilespmem:s18], [sflag:$0x5] =	stream.linear.gather [hbm4b:s25+s2], $0x3200, $0x38;
	[tilespmem:$0x1BC28] =	vst v63  }
0x80: {  	_ =	swait.ge [sflag:s15], $0x3200  }
0x81: {  	[sflag:s15] =	ssyncset.done $0x0  }
0x82: {  	[sflag:s15] =	ssyncadd.s32 $0xFFFFCE00  }
0x83: {  	[tilespmem:s8], [sflag:$0x2] =	stream.indirect.gather [spmem:s3], $0x1, s18, s16, $0xb8;
	[tilespmem:$0x1BC28] =	vst v63  }
0x84: {  	_ =	swait.ge [sflag:s11], $0x3200  }
0x85: {  	[sflag:s11] =	ssyncset.done $0x0  }
0x86: {  	[sflag:s11] =	ssyncadd.s32 $0xFFFFCE00  }
0x87: {  	[hbm4b:s24+s2] =	stream.linear.scatter [tilespmem:s9], [sflag:$0x3], $0x3200, $0x38;
	[tilespmem:$0x1BC28] =	vst v63  }
0x88: {  	_ =	swait.ge [sflag:s7], $0x3200  }
0x89: {  	[sflag:s7] =	ssyncset.done $0x0  }
0x8a: {  	[sflag:s7] =	ssyncadd.s32 $0xFFFFCE00  }
0x8b: {  	[tilespmem:s20], [sflag:$0x5] =	stream.linear.gather [hbm4b:s23+s2], $0x3200, $0x38;
	[tilespmem:$0x1BC28] =	vst v63  }
0x8c: {  	_ =	swait.ge [sflag:s15], $0x3200  }
0x8d: {  	[sflag:s15] =	ssyncset.done $0x0  }
0x8e: {  	[sflag:s15] =	ssyncadd.s32 $0xFFFFCE00  }
0x8f: {  	[tilespmem:s9], [sflag:$0x1] =	stream.indirect.gather [spmem:s3], $0x1, s20, s16, $0xb8;
	[tilespmem:$0x1BC28] =	vst v63  }
0x90: {  	_ =	swait.ge [sflag:s10], $0x3200  }
0x91: {  	[sflag:s10] =	ssyncset.done $0x0  }
0x92: {  	[sflag:s10] =	ssyncadd.s32 $0xFFFFCE00  }
0x93: {  	[hbm4b:s22+s2] =	stream.linear.scatter [tilespmem:s8], [sflag:$0x4], $0x3200, $0x38;
	[tilespmem:$0x1BC28] =	vst v63  }
0x94: {  	_ =	swait.ge [sflag:s5], $0x3200  }
0x95: {  	[sflag:s5] =	ssyncset.done $0x0  }
0x96: {  	[sflag:s5] =	ssyncadd.s32 $0xFFFFCE00  }
0x97: {  	[tilespmem:s18], [sflag:$0x5] =	stream.linear.gather [hbm4b:s21+s2], $0x3200, $0x38;
	[tilespmem:$0x1BC28] =	vst v63  }
0x98: {  	_ =	swait.ge [sflag:s15], $0x3200  }
0x99: {  	[sflag:s15] =	ssyncset.done $0x0  }
0x9a: {  	[sflag:s15] =	ssyncadd.s32 $0xFFFFCE00  }
0x9b: {  	[tilespmem:s8], [sflag:$0x2] =	stream.indirect.gather [spmem:s3], $0x1, s18, s16, $0xb8;
	[tilespmem:$0x1BC28] =	vst v63  }
0x9c: {  	_ =	swait.ge [sflag:s11], $0x3200  }
0x9d: {  	[sflag:s11] =	ssyncset.done $0x0  }
0x9e: {  	[sflag:s11] =	ssyncadd.s32 $0xFFFFCE00  }
0x9f: {  	[hbm4b:s19+s2] =	stream.linear.scatter [tilespmem:s9], [sflag:$0x3], $0x3200, $0x38;
	[tilespmem:$0x1BC28] =	vst v63  }
0xa0: {  	_ =	swait.ge [sflag:s7], $0x3200  }
0xa1: {  	[sflag:s7] =	ssyncset.done $0x0  }
0xa2: {  	[sflag:s7] =	ssyncadd.s32 $0xFFFFCE00  }
0xa3: {  	[tilespmem:s20], [sflag:$0x5] =	stream.linear.gather [hbm4b:s14+s2], $0x3200, $0x38;
	[tilespmem:$0x1BC28] =	vst v63  }
0xa4: {  	_ =	swait.ge [sflag:s15], $0x3200  }
0xa5: {  	[sflag:s15] =	ssyncset.done $0x0  }
0xa6: {  	[sflag:s15] =	ssyncadd.s32 $0xFFFFCE00  }
0xa7: {  	[tilespmem:s9], [sflag:$0x1] =	stream.indirect.gather [spmem:s3], $0x1, s20, s16, $0xb8;
	[tilespmem:$0x1BC28] =	vst v63  }
0xa8: {  	_ =	swait.ge [sflag:s10], $0x3200  }
0xa9: {  	[sflag:s10] =	ssyncset.done $0x0  }
0xaa: {  	[sflag:s10] =	ssyncadd.s32 $0xFFFFCE00  }
0xab: {  	[hbm4b:s26+s2] =	stream.linear.scatter [tilespmem:s8], [sflag:$0x4], $0x3200, $0x38;
	[tilespmem:$0x1BC28] =	vst v63  }
0xac: {  	_ =	swait.ge [sflag:s5], $0x3200  }
0xad: {  	[sflag:s5] =	ssyncset.done $0x0  }
0xae: {  	[sflag:s5] =	ssyncadd.s32 $0xFFFFCE00  }
0xaf: {  	[tilespmem:s18], [sflag:$0x5] =	stream.linear.gather [hbm4b:s13+s2], $0x3200, $0x38;
	[tilespmem:$0x1BC28] =	vst v63  }
0xb0: {  	_ =	swait.ge [sflag:s15], $0x3200  }
0xb1: {  	[sflag:s15] =	ssyncset.done $0x0  }
0xb2: {  	[sflag:s15] =	ssyncadd.s32 $0xFFFFCE00  }
0xb3: {  	[tilespmem:s8], [sflag:$0x2] =	stream.indirect.gather [spmem:s3], $0x1, s18, s16, $0xb8;
	[tilespmem:$0x1BC28] =	vst v63  }
0xb4: {  	_ =	swait.ge [sflag:s11], $0x3200  }
0xb5: {  	[sflag:s11] =	ssyncset.done $0x0  }
0xb6: {  	[sflag:s11] =	ssyncadd.s32 $0xFFFFCE00  }
0xb7: {  	[hbm4b:s12+s2] =	stream.linear.scatter [tilespmem:s9], [sflag:$0x3], $0x3200, $0x38;
	[tilespmem:$0x1BC28] =	vst v63  }
0xb8: {  	_ =	swait.ge [sflag:s10], $0x3200  }
0xb9: {  	s1 =	sadd.s32 $0xFFFFFFFF, s1;
	[sflag:s10] =	ssyncset.done $0x0  }
0xba: {  	p1 =	por $0x1, $0x1;
	p2 =	sne.s32 s1, $0x0;
	[sflag:s10] =	ssyncadd.s32 $0xFFFFCE00  }
0xbb: {  	[hbm4b:s4+s2] =	stream.linear.scatter [tilespmem:s8], [sflag:$0x4], $0x3200, $0x38;
	[tilespmem:$0x1BC28] =	vst v63  }
.Ltmp1:
0xbc: {  	s30 =	smov.u32 s25;
	_ =	swait.ge [sflag:s7], $0x3200;
	(pc) =	sbr.rel @!p2 .LBB2_3-.Ltmp1, $4  }
0xbd: {  	s25 =	smov.u32 s24;
	s24 =	smov.u32 s23;
	[sflag:s7] =	ssyncset.done $0x0  }
0xbe: {  	s23 =	smov.u32 s22;
	s22 =	smov.u32 s21;
	[sflag:s7] =	ssyncadd.s32 $0xFFFFCE00  }
0xbf: {  	s21 =	smov.u32 s19;
	s19 =	smov.u32 s14;
	_ =	swait.ge [sflag:s5], $0x3200  }
0xc0: {  	s14 =	smov.u32 s26;
	s29 =	rddreg [dreg:$0x3];
	[sflag:s5] =	ssyncset.done $0x0  }
.LBB2_4:
0xc1: {  	[sflag:s5] =	ssyncadd.s32 $0xFFFFCE00  }
0xc2: {  	[tilespmem:s9], [sflag:$0x1] =	stream.linear.gather [hbm4b:s29+s2], $0x2710, $0x38;
	[tilespmem:$0x1BC28] =	vst v63  }
0xc3: {  	_ =	swait.ge [sflag:s11], $0x2710  }
0xc4: {  	[sflag:s11] =	ssyncset.done $0x0  }
0xc5: {  	s29 =	rddreg [dreg:$0x4];
	[sflag:s11] =	ssyncadd.s32 $0xFFFFD8F0  }
0xc6: {  	[spmem:s29] =	stream.linear.scatter [tilespmem:s9], [sflag:$0x3], $0x2710, $0x38;
	[tilespmem:$0x1BC28] =	vst v63  }
0xc7: {  	s26 =	rddreg [dreg:$0x5]  }
0xc8: {  	[tilespmem:s8], [sflag:$0x2] =	stream.linear.gather [hbm4b:s26+s2], $0x2710, $0x38;
	[tilespmem:$0x1BC28] =	vst v63  }
0xc9: {  	_ =	swait.ge [sflag:s10], $0x2710  }
0xca: {  	[sflag:s10] =	ssyncset.done $0x0  }
0xcb: {  	s26 =	rddreg [dreg:$0x6];
	[sflag:s10] =	ssyncadd.s32 $0xFFFFD8F0  }
0xcc: {  	[spmem:s26] =	stream.linear.scatter [tilespmem:s8], [sflag:$0x4], $0x2710, $0x38;
	[tilespmem:$0x1BC28] =	vst v63  }
0xcd: {  	_ =	swait.ge [sflag:s7], $0x2710  }
0xce: {  	[sflag:s7] =	ssyncset.done $0x0  }
0xcf: {  	s26 =	rddreg [dreg:$0x7];
	[sflag:s7] =	ssyncadd.s32 $0xFFFFD8F0  }
0xd0: {  	[tilespmem:s9], [sflag:$0x1] =	stream.linear.gather [hbm4b:s26+s2], $0x2710, $0x38;
	[tilespmem:$0x1BC28] =	vst v63  }
0xd1: {  	_ =	swait.ge [sflag:s11], $0x2710  }
0xd2: {  	[sflag:s11] =	ssyncset.done $0x0  }
0xd3: {  	s26 =	rddreg [dreg:$0x8];
	[sflag:s11] =	ssyncadd.s32 $0xFFFFD8F0  }
0xd4: {  	[spmem:s26] =	stream.linear.scatter [tilespmem:s9], [sflag:$0x3], $0x2710, $0x38;
	[tilespmem:$0x1BC28] =	vst v63  }
0xd5: {  	_ =	swait.ge [sflag:s5], $0x2710  }
0xd6: {  	[sflag:s5] =	ssyncset.done $0x0  }
0xd7: {  	s26 =	rddreg [dreg:$0x9];
	[sflag:s5] =	ssyncadd.s32 $0xFFFFD8F0  }
0xd8: {  	[tilespmem:s8], [sflag:$0x2] =	stream.linear.gather [hbm4b:s26+s2], $0x2710, $0x38;
	[tilespmem:$0x1BC28] =	vst v63  }
0xd9: {  	_ =	swait.ge [sflag:s10], $0x2710  }
0xda: {  	[sflag:s10] =	ssyncset.done $0x0  }
0xdb: {  	s26 =	rddreg [dreg:$0xa];
	[sflag:s10] =	ssyncadd.s32 $0xFFFFD8F0  }
0xdc: {  	[spmem:s26] =	stream.linear.scatter [tilespmem:s8], [sflag:$0x4], $0x2710, $0x38;
	[tilespmem:$0x1BC28] =	vst v63  }
0xdd: {  	_ =	swait.ge [sflag:s7], $0x2710  }
0xde: {  	[sflag:s7] =	ssyncset.done $0x0  }
0xdf: {  	s26 =	rddreg [dreg:$0xb];
	[sflag:s7] =	ssyncadd.s32 $0xFFFFD8F0  }
0xe0: {  	[tilespmem:s9], [sflag:$0x1] =	stream.linear.gather [hbm4b:s26+s2], $0x2710, $0x38;
	[tilespmem:$0x1BC28] =	vst v63  }
0xe1: {  	_ =	swait.ge [sflag:s11], $0x2710  }
0xe2: {  	[sflag:s11] =	ssyncset.done $0x0  }
0xe3: {  	s26 =	rddreg [dreg:$0xc];
	[sflag:s11] =	ssyncadd.s32 $0xFFFFD8F0  }
0xe4: {  	[spmem:s26] =	stream.linear.scatter [tilespmem:s9], [sflag:$0x3], $0x2710, $0x38;
	[tilespmem:$0x1BC28] =	vst v63  }
0xe5: {  	_ =	swait.ge [sflag:s5], $0x2710  }
0xe6: {  	[sflag:s5] =	ssyncset.done $0x0  }
0xe7: {  	s26 =	rddreg [dreg:$0xd];
	[sflag:s5] =	ssyncadd.s32 $0xFFFFD8F0  }
0xe8: {  	[tilespmem:s8], [sflag:$0x2] =	stream.linear.gather [hbm4b:s26+s2], $0x2710, $0x38;
	[tilespmem:$0x1BC28] =	vst v63  }
0xe9: {  	_ =	swait.ge [sflag:s10], $0x2710  }
0xea: {  	[sflag:s10] =	ssyncset.done $0x0  }
0xeb: {  	s26 =	rddreg [dreg:$0xe];
	[sflag:s10] =	ssyncadd.s32 $0xFFFFD8F0  }
0xec: {  	[spmem:s26] =	stream.linear.scatter [tilespmem:s8], [sflag:$0x4], $0x2710, $0x38;
	[tilespmem:$0x1BC28] =	vst v63  }
0xed: {  	_ =	swait.ge @!p0 [sflag:s17], $0x2710  }
0xee: {  	s6 =	smov.u32 s4;
	s29 =	simm.s32 @!p0 $0x0;
	[sflag:s17] =	ssyncset.done @!p0 $0x0  }
0xef: {  	s26 =	simm.s32 @!p0 $0x15828;
	s4 =	rddreg [dreg:$0xf];
	[sflag:s17] =	ssyncadd.s32 @!p0 $0xFFFFD8F0  }
0xf0: {  	[tilespmem:s26], [sflag:$0x1] =	stream.linear.gather @!p0 [hbm4b:s4+s29], $0x2710, $0x38;
	[tilespmem:$0x1BC28] =	vst v63  }
0xf1: {  	_ =	swait.ge @!p0 [sflag:s28], $0x2710  }
0xf2: {  	[sflag:s28] =	ssyncset.done @!p0 $0x0  }
0xf3: {  	s4 =	rddreg [dreg:$0x10];
	[sflag:s28] =	ssyncadd.s32 @!p0 $0xFFFFD8F0  }
0xf4: {  	[spmem:s4] =	stream.linear.scatter @!p0 [tilespmem:s26], [sflag:$0x3], $0x2710, $0x38;
	[tilespmem:$0x1BC28] =	vst v63  }
0xf5: {  	_ =	swait.ge @!p0 [sflag:s31], $0x2710  }
0xf6: {  	[sflag:s31] =	ssyncset.done @!p0 $0x0  }
0xf7: {  	[sflag:s31] =	ssyncadd.s32 @!p0 $0xFFFFD8F0  }
0xf8: {  	_ =	swait.ge [sflag:s0], $0x2710  }
0xf9: {  	[sflag:s0] =	ssyncset.done $0x0  }
0xfa: {  	[sflag:s0] =	ssyncadd.s32 $0xFFFFD8F0  }
0xfb: {  	[bflag:$0x0] =	sbarrier.arrive $0xFFFF  }
0xfc: {  	s26 =	rddreg [dreg:$0x11]  }
0xfd: {  	[tilespmem:s20], [sflag:$0x5] =	stream.linear.gather [hbm4b:s26+s2], $0x3200, $0x38;
	[tilespmem:$0x1BC28] =	vst v63  }
0xfe: {  	_ =	swait.ge [sflag:s15], $0x3200  }
0xff: {  	[sflag:s15] =	ssyncset.done $0x0  }
0x100: {  	[sflag:s15] =	ssyncadd.s32 $0xFFFFCE00  }
0x101: {  	[tilespmem:s9], [sflag:$0x1] =	stream.indirect.gather [spmem:s3], $0x1, s20, s16, $0xb8;
	[tilespmem:$0x1BC28] =	vst v63  }
0x102: {  	s26 =	rddreg [dreg:$0x12]  }
0x103: {  	[tilespmem:s18], [sflag:$0x5] =	stream.linear.gather [hbm4b:s26+s2], $0x3200, $0x38;
	[tilespmem:$0x1BC28] =	vst v63  }
0x104: {  	_ =	swait.ge [sflag:s15], $0x3200  }
0x105: {  	[sflag:s15] =	ssyncset.done $0x0  }
0x106: {  	[sflag:s15] =	ssyncadd.s32 $0xFFFFCE00  }
0x107: {  	[tilespmem:s8], [sflag:$0x2] =	stream.indirect.gather [spmem:s3], $0x1, s18, s16, $0xb8;
	[tilespmem:$0x1BC28] =	vst v63  }
0x108: {  	_ =	swait.ge [sflag:s11], $0x3200  }
0x109: {  	[sflag:s11] =	ssyncset.done $0x0  }
0x10a: {  	s26 =	rddreg [dreg:$0x13];
	[sflag:s11] =	ssyncadd.s32 $0xFFFFCE00  }
0x10b: {  	[hbm4b:s26+s2] =	stream.linear.scatter [tilespmem:s9], [sflag:$0x3], $0x3200, $0x38;
	[tilespmem:$0x1BC28] =	vst v63  }
0x10c: {  	_ =	swait.ge [sflag:s7], $0x3200  }
0x10d: {  	[sflag:s7] =	ssyncset.done $0x0  }
0x10e: {  	s26 =	rddreg [dreg:$0x14];
	[sflag:s7] =	ssyncadd.s32 $0xFFFFCE00  }
0x10f: {  	[tilespmem:s20], [sflag:$0x5] =	stream.linear.gather [hbm4b:s26+s2], $0x3200, $0x38;
	[tilespmem:$0x1BC28] =	vst v63  }
0x110: {  	_ =	swait.ge [sflag:s15], $0x3200  }
0x111: {  	[sflag:s15] =	ssyncset.done $0x0  }
0x112: {  	[sflag:s15] =	ssyncadd.s32 $0xFFFFCE00  }
0x113: {  	[tilespmem:s9], [sflag:$0x1] =	stream.indirect.gather [spmem:s3], $0x1, s20, s16, $0xb8;
	[tilespmem:$0x1BC28] =	vst v63  }
0x114: {  	_ =	swait.ge [sflag:s10], $0x3200  }
0x115: {  	[sflag:s10] =	ssyncset.done $0x0  }
0x116: {  	s26 =	rddreg [dreg:$0x15];
	[sflag:s10] =	ssyncadd.s32 $0xFFFFCE00  }
0x117: {  	[hbm4b:s26+s2] =	stream.linear.scatter [tilespmem:s8], [sflag:$0x4], $0x3200, $0x38;
	[tilespmem:$0x1BC28] =	vst v63  }
0x118: {  	_ =	swait.ge [sflag:s5], $0x3200  }
0x119: {  	[sflag:s5] =	ssyncset.done $0x0  }
0x11a: {  	[sflag:s5] =	ssyncadd.s32 $0xFFFFCE00  }
0x11b: {  	[tilespmem:s18], [sflag:$0x5] =	stream.linear.gather [hbm4b:s30+s2], $0x3200, $0x38;
	[tilespmem:$0x1BC28] =	vst v63  }
0x11c: {  	_ =	swait.ge [sflag:s15], $0x3200  }
0x11d: {  	[sflag:s15] =	ssyncset.done $0x0  }
0x11e: {  	[sflag:s15] =	ssyncadd.s32 $0xFFFFCE00  }
0x11f: {  	[tilespmem:s8], [sflag:$0x2] =	stream.indirect.gather [spmem:s3], $0x1, s18, s16, $0xb8;
	[tilespmem:$0x1BC28] =	vst v63  }
0x120: {  	_ =	swait.ge [sflag:s11], $0x3200  }
0x121: {  	[sflag:s11] =	ssyncset.done $0x0  }
0x122: {  	[sflag:s11] =	ssyncadd.s32 $0xFFFFCE00  }
0x123: {  	[hbm4b:s25+s2] =	stream.linear.scatter [tilespmem:s9], [sflag:$0x3], $0x3200, $0x38;
	[tilespmem:$0x1BC28] =	vst v63  }
0x124: {  	_ =	swait.ge [sflag:s7], $0x3200  }
0x125: {  	[sflag:s7] =	ssyncset.done $0x0  }
0x126: {  	[sflag:s7] =	ssyncadd.s32 $0xFFFFCE00  }
0x127: {  	[tilespmem:s20], [sflag:$0x5] =	stream.linear.gather [hbm4b:s24+s2], $0x3200, $0x38;
	[tilespmem:$0x1BC28] =	vst v63  }
0x128: {  	_ =	swait.ge [sflag:s15], $0x3200  }
0x129: {  	[sflag:s15] =	ssyncset.done $0x0  }
0x12a: {  	[sflag:s15] =	ssyncadd.s32 $0xFFFFCE00  }
0x12b: {  	[tilespmem:s9], [sflag:$0x1] =	stream.indirect.gather [spmem:s3], $0x1, s20, s16, $0xb8;
	[tilespmem:$0x1BC28] =	vst v63  }
0x12c: {  	_ =	swait.ge [sflag:s10], $0x3200  }
0x12d: {  	[sflag:s10] =	ssyncset.done $0x0  }
0x12e: {  	[sflag:s10] =	ssyncadd.s32 $0xFFFFCE00  }
0x12f: {  	[hbm4b:s23+s2] =	stream.linear.scatter [tilespmem:s8], [sflag:$0x4], $0x3200, $0x38;
	[tilespmem:$0x1BC28] =	vst v63  }
0x130: {  	_ =	swait.ge [sflag:s5], $0x3200  }
0x131: {  	[sflag:s5] =	ssyncset.done $0x0  }
0x132: {  	[sflag:s5] =	ssyncadd.s32 $0xFFFFCE00  }
0x133: {  	[tilespmem:s18], [sflag:$0x5] =	stream.linear.gather [hbm4b:s22+s2], $0x3200, $0x38;
	[tilespmem:$0x1BC28] =	vst v63  }
0x134: {  	_ =	swait.ge [sflag:s15], $0x3200  }
0x135: {  	[sflag:s15] =	ssyncset.done $0x0  }
0x136: {  	[sflag:s15] =	ssyncadd.s32 $0xFFFFCE00  }
0x137: {  	[tilespmem:s8], [sflag:$0x2] =	stream.indirect.gather [spmem:s3], $0x1, s18, s16, $0xb8;
	[tilespmem:$0x1BC28] =	vst v63  }
0x138: {  	_ =	swait.ge [sflag:s11], $0x3200  }
0x139: {  	[sflag:s11] =	ssyncset.done $0x0  }
0x13a: {  	[sflag:s11] =	ssyncadd.s32 $0xFFFFCE00  }
0x13b: {  	[hbm4b:s21+s2] =	stream.linear.scatter [tilespmem:s9], [sflag:$0x3], $0x3200, $0x38;
	[tilespmem:$0x1BC28] =	vst v63  }
0x13c: {  	_ =	swait.ge [sflag:s7], $0x3200  }
0x13d: {  	[sflag:s7] =	ssyncset.done $0x0  }
0x13e: {  	[sflag:s7] =	ssyncadd.s32 $0xFFFFCE00  }
0x13f: {  	[tilespmem:s20], [sflag:$0x5] =	stream.linear.gather [hbm4b:s19+s2], $0x3200, $0x38;
	[tilespmem:$0x1BC28] =	vst v63  }
0x140: {  	_ =	swait.ge [sflag:s15], $0x3200  }
0x141: {  	[sflag:s15] =	ssyncset.done $0x0  }
0x142: {  	[sflag:s15] =	ssyncadd.s32 $0xFFFFCE00  }
0x143: {  	[tilespmem:s9], [sflag:$0x1] =	stream.indirect.gather [spmem:s3], $0x1, s20, s16, $0xb8;
	[tilespmem:$0x1BC28] =	vst v63  }
0x144: {  	_ =	swait.ge [sflag:s10], $0x3200  }
0x145: {  	[sflag:s10] =	ssyncset.done $0x0  }
0x146: {  	[sflag:s10] =	ssyncadd.s32 $0xFFFFCE00  }
0x147: {  	[hbm4b:s14+s2] =	stream.linear.scatter [tilespmem:s8], [sflag:$0x4], $0x3200, $0x38;
	[tilespmem:$0x1BC28] =	vst v63  }
0x148: {  	_ =	swait.ge [sflag:s5], $0x3200  }
0x149: {  	[sflag:s5] =	ssyncset.done $0x0  }
0x14a: {  	[sflag:s5] =	ssyncadd.s32 $0xFFFFCE00  }
0x14b: {  	[tilespmem:s18], [sflag:$0x5] =	stream.linear.gather [hbm4b:s13+s2], $0x3200, $0x38;
	[tilespmem:$0x1BC28] =	vst v63  }
0x14c: {  	_ =	swait.ge [sflag:s15], $0x3200  }
0x14d: {  	[sflag:s15] =	ssyncset.done $0x0  }
0x14e: {  	[sflag:s15] =	ssyncadd.s32 $0xFFFFCE00  }
0x14f: {  	[tilespmem:s8], [sflag:$0x2] =	stream.indirect.gather [spmem:s3], $0x1, s18, s16, $0xb8;
	[tilespmem:$0x1BC28] =	vst v63  }
0x150: {  	_ =	swait.ge [sflag:s11], $0x3200  }
0x151: {  	[sflag:s11] =	ssyncset.done $0x0  }
0x152: {  	[sflag:s11] =	ssyncadd.s32 $0xFFFFCE00  }
0x153: {  	[hbm4b:s12+s2] =	stream.linear.scatter [tilespmem:s9], [sflag:$0x3], $0x3200, $0x38;
	[tilespmem:$0x1BC28] =	vst v63  }
0x154: {  	_ =	swait.ge [sflag:s10], $0x3200  }
0x155: {  	s1 =	sadd.s32 $0xFFFFFFFF, s1;
	[sflag:s10] =	ssyncset.done $0x0  }
0x156: {  	p2 =	sne.s32 s1, $0x0;
	[sflag:s10] =	ssyncadd.s32 $0xFFFFCE00  }
0x157: {  	[hbm4b:s6+s2] =	stream.linear.scatter [tilespmem:s8], [sflag:$0x4], $0x3200, $0x38;
	[tilespmem:$0x1BC28] =	vst v63  }
.Ltmp2:
0x158: {  	_ =	swait.ge [sflag:s7], $0x3200;
	(pc) =	sbr.rel @p2 .LBB2_4-.Ltmp2, $4  }
0x159: {  	[sflag:s7] =	ssyncset.done $0x0  }
0x15a: {  	[sflag:s7] =	ssyncadd.s32 $0xFFFFCE00  }
0x15b: {  	_ =	swait.ge [sflag:s5], $0x3200  }
0x15c: {  	s4 =	smov.u32 s6;
	s29 =	rddreg [dreg:$0x3];
	[sflag:s5] =	ssyncset.done $0x0  }
0x15d: {  	s17 =	smov.u32 s14;
	s28 =	rddreg [dreg:$0x2]  }
0x15e: {  	s31 =	stileid.u32;
	s14 =	smov.u32 s19;
	s19 =	smov.u32 s21  }
0x15f: {  	s21 =	smov.u32 s22;
	s22 =	smov.u32 s23;
	s23 =	smov.u32 s24  }
0x160: {  	s24 =	smov.u32 s25;
	s25 =	smov.u32 s30;
	s30 =	rddreg [dreg:$0x15]  }
.LBB2_6:
0x161: {  	[sflag:s5] =	ssyncadd.s32 @p1 $0xFFFFCE00  }
0x162: {  	[tilespmem:s9], [sflag:$0x1] =	stream.linear.gather [hbm4b:s29+s2], $0x2710, $0x38;
	[tilespmem:$0x1BC28] =	vst v63  }
0x163: {  	_ =	swait.ge [sflag:s11], $0x2710  }
0x164: {  	[sflag:s11] =	ssyncset.done $0x0  }
0x165: {  	s0 =	rddreg [dreg:$0x4];
	[sflag:s11] =	ssyncadd.s32 $0xFFFFD8F0  }
0x166: {  	[spmem:s0] =	stream.linear.scatter [tilespmem:s9], [sflag:$0x3], $0x2710, $0x38;
	[tilespmem:$0x1BC28] =	vst v63  }
0x167: {  	s1 =	rddreg [dreg:$0x5]  }
0x168: {  	[tilespmem:s8], [sflag:$0x2] =	stream.linear.gather [hbm4b:s1+s2], $0x2710, $0x38;
	[tilespmem:$0x1BC28] =	vst v63  }
0x169: {  	_ =	swait.ge [sflag:s10], $0x2710  }
0x16a: {  	[sflag:s10] =	ssyncset.done $0x0  }
0x16b: {  	s29 =	rddreg [dreg:$0x6];
	[sflag:s10] =	ssyncadd.s32 $0xFFFFD8F0  }
0x16c: {  	[spmem:s29] =	stream.linear.scatter [tilespmem:s8], [sflag:$0x4], $0x2710, $0x38;
	[tilespmem:$0x1BC28] =	vst v63  }
0x16d: {  	_ =	swait.ge [sflag:s7], $0x2710  }
0x16e: {  	[sflag:s7] =	ssyncset.done $0x0  }
0x16f: {  	s1 =	rddreg [dreg:$0x7];
	[sflag:s7] =	ssyncadd.s32 $0xFFFFD8F0  }
0x170: {  	[tilespmem:s9], [sflag:$0x1] =	stream.linear.gather [hbm4b:s1+s2], $0x2710, $0x38;
	[tilespmem:$0x1BC28] =	vst v63  }
0x171: {  	_ =	swait.ge [sflag:s11], $0x2710  }
0x172: {  	[sflag:s11] =	ssyncset.done $0x0  }
0x173: {  	s4 =	rddreg [dreg:$0x8];
	[sflag:s11] =	ssyncadd.s32 $0xFFFFD8F0  }
0x174: {  	[spmem:s4] =	stream.linear.scatter [tilespmem:s9], [sflag:$0x3], $0x2710, $0x38;
	[tilespmem:$0x1BC28] =	vst v63  }
0x175: {  	_ =	swait.ge [sflag:s5], $0x2710  }
0x176: {  	[sflag:s5] =	ssyncset.done $0x0  }
0x177: {  	s26 =	rddreg [dreg:$0x9];
	[sflag:s5] =	ssyncadd.s32 $0xFFFFD8F0  }
0x178: {  	[tilespmem:s8], [sflag:$0x2] =	stream.linear.gather [hbm4b:s26+s2], $0x2710, $0x38;
	[tilespmem:$0x1BC28] =	vst v63  }
0x179: {  	_ =	swait.ge [sflag:s10], $0x2710  }
0x17a: {  	[sflag:s10] =	ssyncset.done $0x0  }
0x17b: {  	s29 =	rddreg [dreg:$0xa];
	[sflag:s10] =	ssyncadd.s32 $0xFFFFD8F0  }
0x17c: {  	[spmem:s29] =	stream.linear.scatter [tilespmem:s8], [sflag:$0x4], $0x2710, $0x38;
	[tilespmem:$0x1BC28] =	vst v63  }
0x17d: {  	_ =	swait.ge [sflag:s7], $0x2710  }
0x17e: {  	[sflag:s7] =	ssyncset.done $0x0  }
0x17f: {  	s1 =	rddreg [dreg:$0xb];
	[sflag:s7] =	ssyncadd.s32 $0xFFFFD8F0  }
0x180: {  	[tilespmem:s9], [sflag:$0x1] =	stream.linear.gather [hbm4b:s1+s2], $0x2710, $0x38;
	[tilespmem:$0x1BC28] =	vst v63  }
0x181: {  	_ =	swait.ge [sflag:s11], $0x2710  }
0x182: {  	[sflag:s11] =	ssyncset.done $0x0  }
0x183: {  	s4 =	rddreg [dreg:$0xc];
	[sflag:s11] =	ssyncadd.s32 $0xFFFFD8F0  }
0x184: {  	[spmem:s4] =	stream.linear.scatter [tilespmem:s9], [sflag:$0x3], $0x2710, $0x38;
	[tilespmem:$0x1BC28] =	vst v63  }
0x185: {  	_ =	swait.ge [sflag:s5], $0x2710  }
0x186: {  	[sflag:s5] =	ssyncset.done $0x0  }
0x187: {  	s26 =	rddreg [dreg:$0xd];
	[sflag:s5] =	ssyncadd.s32 $0xFFFFD8F0  }
0x188: {  	[tilespmem:s8], [sflag:$0x2] =	stream.linear.gather [hbm4b:s26+s2], $0x2710, $0x38;
	[tilespmem:$0x1BC28] =	vst v63  }
0x189: {  	_ =	swait.ge [sflag:s10], $0x2710  }
0x18a: {  	[sflag:s10] =	ssyncset.done $0x0  }
0x18b: {  	s0 =	simm.s32 @!p0 $0x3;
	s29 =	rddreg [dreg:$0xe];
	[sflag:s10] =	ssyncadd.s32 $0xFFFFD8F0  }
0x18c: {  	[spmem:s29] =	stream.linear.scatter [tilespmem:s8], [sflag:$0x4], $0x2710, $0x38;
	[tilespmem:$0x1BC28] =	vst v63  }
0x18d: {  	_ =	swait.ge @!p0 [sflag:s0], $0x2710  }
0x18e: {  	s4 =	simm.s32 @!p0 $0x0;
	[sflag:s0] =	ssyncset.done @!p0 $0x0  }
0x18f: {  	s26 =	simm.s32 @!p0 $0x15828;
	s1 =	rddreg [dreg:$0xf];
	[sflag:s0] =	ssyncadd.s32 @!p0 $0xFFFFD8F0  }
0x190: {  	[tilespmem:s26], [sflag:$0x1] =	stream.linear.gather @!p0 [hbm4b:s1+s4], $0x2710, $0x38;
	[tilespmem:$0x1BC28] =	vst v63  }
0x191: {  	s1 =	simm.s32 @!p0 $0x1  }
0x192: {  	_ =	swait.ge @!p0 [sflag:s1], $0x2710  }
0x193: {  	[sflag:s1] =	ssyncset.done @!p0 $0x0  }
0x194: {  	s4 =	rddreg [dreg:$0x10];
	[sflag:s1] =	ssyncadd.s32 @!p0 $0xFFFFD8F0;
	s1 =	simm.s32 @!p0 $0x4  }
0x195: {  	[spmem:s4] =	stream.linear.scatter @!p0 [tilespmem:s26], [sflag:$0x3], $0x2710, $0x38;
	[tilespmem:$0x1BC28] =	vst v63  }
0x196: {  	_ =	swait.ge @!p0 [sflag:s1], $0x2710  }
0x197: {  	[sflag:s1] =	ssyncset.done @!p0 $0x0  }
0x198: {  	s0 =	simm.s32 @p0 $0x4;
	[sflag:s1] =	ssyncadd.s32 @!p0 $0xFFFFD8F0  }
0x199: {  	_ =	swait.ge [sflag:s0], $0x2710  }
0x19a: {  	[sflag:s0] =	ssyncset.done $0x0  }
0x19b: {  	[sflag:s0] =	ssyncadd.s32 $0xFFFFD8F0  }
0x19c: {  	[bflag:$0x0] =	sbarrier.arrive $0xFFFF  }
0x19d: {  	s1 =	rddreg [dreg:$0x11]  }
0x19e: {  	[tilespmem:s20], [sflag:$0x5] =	stream.linear.gather [hbm4b:s1+s2], $0x3200, $0x38;
	[tilespmem:$0x1BC28] =	vst v63  }
0x19f: {  	_ =	swait.ge [sflag:s15], $0x3200  }
0x1a0: {  	[sflag:s15] =	ssyncset.done $0x0  }
0x1a1: {  	[sflag:s15] =	ssyncadd.s32 $0xFFFFCE00  }
0x1a2: {  	[tilespmem:s9], [sflag:$0x1] =	stream.indirect.gather [spmem:s3], $0x1, s20, s16, $0xb8;
	[tilespmem:$0x1BC28] =	vst v63  }
0x1a3: {  	s4 =	rddreg [dreg:$0x12]  }
0x1a4: {  	[tilespmem:s18], [sflag:$0x5] =	stream.linear.gather [hbm4b:s4+s2], $0x3200, $0x38;
	[tilespmem:$0x1BC28] =	vst v63  }
0x1a5: {  	_ =	swait.ge [sflag:s15], $0x3200  }
0x1a6: {  	[sflag:s15] =	ssyncset.done $0x0  }
0x1a7: {  	[sflag:s15] =	ssyncadd.s32 $0xFFFFCE00  }
0x1a8: {  	[tilespmem:s8], [sflag:$0x2] =	stream.indirect.gather [spmem:s3], $0x1, s18, s16, $0xb8;
	[tilespmem:$0x1BC28] =	vst v63  }
0x1a9: {  	_ =	swait.ge [sflag:s11], $0x3200  }
0x1aa: {  	[sflag:s11] =	ssyncset.done $0x0  }
0x1ab: {  	s26 =	rddreg [dreg:$0x13];
	[sflag:s11] =	ssyncadd.s32 $0xFFFFCE00  }
0x1ac: {  	[hbm4b:s26+s2] =	stream.linear.scatter [tilespmem:s9], [sflag:$0x3], $0x3200, $0x38;
	[tilespmem:$0x1BC28] =	vst v63  }
0x1ad: {  	_ =	swait.ge [sflag:s7], $0x3200  }
0x1ae: {  	[sflag:s7] =	ssyncset.done $0x0  }
0x1af: {  	s29 =	rddreg [dreg:$0x14];
	[sflag:s7] =	ssyncadd.s32 $0xFFFFCE00  }
0x1b0: {  	[tilespmem:s20], [sflag:$0x5] =	stream.linear.gather [hbm4b:s29+s2], $0x3200, $0x38;
	[tilespmem:$0x1BC28] =	vst v63  }
0x1b1: {  	_ =	swait.ge [sflag:s15], $0x3200  }
0x1b2: {  	[sflag:s15] =	ssyncset.done $0x0  }
0x1b3: {  	[sflag:s15] =	ssyncadd.s32 $0xFFFFCE00  }
0x1b4: {  	[tilespmem:s9], [sflag:$0x1] =	stream.indirect.gather [spmem:s3], $0x1, s20, s16, $0xb8;
	[tilespmem:$0x1BC28] =	vst v63  }
0x1b5: {  	_ =	swait.ge [sflag:s10], $0x3200  }
0x1b6: {  	[sflag:s10] =	ssyncset.done $0x0  }
0x1b7: {  	[sflag:s10] =	ssyncadd.s32 $0xFFFFCE00  }
0x1b8: {  	[hbm4b:s30+s2] =	stream.linear.scatter [tilespmem:s8], [sflag:$0x4], $0x3200, $0x38;
	[tilespmem:$0x1BC28] =	vst v63  }
0x1b9: {  	_ =	swait.ge [sflag:s5], $0x3200  }
0x1ba: {  	[sflag:s5] =	ssyncset.done $0x0  }
0x1bb: {  	[sflag:s5] =	ssyncadd.s32 $0xFFFFCE00  }
0x1bc: {  	[tilespmem:s18], [sflag:$0x5] =	stream.linear.gather [hbm4b:s25+s2], $0x3200, $0x38;
	[tilespmem:$0x1BC28] =	vst v63  }
0x1bd: {  	_ =	swait.ge [sflag:s15], $0x3200  }
0x1be: {  	[sflag:s15] =	ssyncset.done $0x0  }
0x1bf: {  	[sflag:s15] =	ssyncadd.s32 $0xFFFFCE00  }
0x1c0: {  	[tilespmem:s8], [sflag:$0x2] =	stream.indirect.gather [spmem:s3], $0x1, s18, s16, $0xb8;
	[tilespmem:$0x1BC28] =	vst v63  }
0x1c1: {  	_ =	swait.ge [sflag:s11], $0x3200  }
0x1c2: {  	[sflag:s11] =	ssyncset.done $0x0  }
0x1c3: {  	[sflag:s11] =	ssyncadd.s32 $0xFFFFCE00  }
0x1c4: {  	[hbm4b:s24+s2] =	stream.linear.scatter [tilespmem:s9], [sflag:$0x3], $0x3200, $0x38;
	[tilespmem:$0x1BC28] =	vst v63  }
0x1c5: {  	_ =	swait.ge [sflag:s7], $0x3200  }
0x1c6: {  	[sflag:s7] =	ssyncset.done $0x0  }
0x1c7: {  	[sflag:s7] =	ssyncadd.s32 $0xFFFFCE00  }
0x1c8: {  	[tilespmem:s20], [sflag:$0x5] =	stream.linear.gather [hbm4b:s23+s2], $0x3200, $0x38;
	[tilespmem:$0x1BC28] =	vst v63  }
0x1c9: {  	_ =	swait.ge [sflag:s15], $0x3200  }
0x1ca: {  	[sflag:s15] =	ssyncset.done $0x0  }
0x1cb: {  	[sflag:s15] =	ssyncadd.s32 $0xFFFFCE00  }
0x1cc: {  	[tilespmem:s9], [sflag:$0x1] =	stream.indirect.gather [spmem:s3], $0x1, s20, s16, $0xb8;
	[tilespmem:$0x1BC28] =	vst v63  }
0x1cd: {  	_ =	swait.ge [sflag:s10], $0x3200  }
0x1ce: {  	[sflag:s10] =	ssyncset.done $0x0  }
0x1cf: {  	[sflag:s10] =	ssyncadd.s32 $0xFFFFCE00  }
0x1d0: {  	[hbm4b:s22+s2] =	stream.linear.scatter [tilespmem:s8], [sflag:$0x4], $0x3200, $0x38;
	[tilespmem:$0x1BC28] =	vst v63  }
0x1d1: {  	_ =	swait.ge [sflag:s5], $0x3200  }
0x1d2: {  	[sflag:s5] =	ssyncset.done $0x0  }
0x1d3: {  	[sflag:s5] =	ssyncadd.s32 $0xFFFFCE00  }
0x1d4: {  	[tilespmem:s18], [sflag:$0x5] =	stream.linear.gather [hbm4b:s21+s2], $0x3200, $0x38;
	[tilespmem:$0x1BC28] =	vst v63  }
0x1d5: {  	_ =	swait.ge [sflag:s15], $0x3200  }
0x1d6: {  	[sflag:s15] =	ssyncset.done $0x0  }
0x1d7: {  	[sflag:s15] =	ssyncadd.s32 $0xFFFFCE00  }
0x1d8: {  	[tilespmem:s8], [sflag:$0x2] =	stream.indirect.gather [spmem:s3], $0x1, s18, s16, $0xb8;
	[tilespmem:$0x1BC28] =	vst v63  }
0x1d9: {  	_ =	swait.ge [sflag:s11], $0x3200  }
0x1da: {  	[sflag:s11] =	ssyncset.done $0x0  }
0x1db: {  	[sflag:s11] =	ssyncadd.s32 $0xFFFFCE00  }
0x1dc: {  	[hbm4b:s19+s2] =	stream.linear.scatter [tilespmem:s9], [sflag:$0x3], $0x3200, $0x38;
	[tilespmem:$0x1BC28] =	vst v63  }
0x1dd: {  	_ =	swait.ge [sflag:s7], $0x3200  }
0x1de: {  	[sflag:s7] =	ssyncset.done $0x0  }
0x1df: {  	[sflag:s7] =	ssyncadd.s32 $0xFFFFCE00  }
0x1e0: {  	[tilespmem:s20], [sflag:$0x5] =	stream.linear.gather [hbm4b:s14+s2], $0x3200, $0x38;
	[tilespmem:$0x1BC28] =	vst v63  }
0x1e1: {  	_ =	swait.ge [sflag:s15], $0x3200  }
0x1e2: {  	[sflag:s15] =	ssyncset.done $0x0  }
0x1e3: {  	[sflag:s15] =	ssyncadd.s32 $0xFFFFCE00  }
0x1e4: {  	[tilespmem:s9], [sflag:$0x1] =	stream.indirect.gather [spmem:s3], $0x1, s20, s16, $0xb8;
	[tilespmem:$0x1BC28] =	vst v63  }
0x1e5: {  	_ =	swait.ge [sflag:s10], $0x3200  }
0x1e6: {  	[sflag:s10] =	ssyncset.done $0x0  }
0x1e7: {  	[sflag:s10] =	ssyncadd.s32 $0xFFFFCE00  }
0x1e8: {  	[hbm4b:s17+s2] =	stream.linear.scatter [tilespmem:s8], [sflag:$0x4], $0x3200, $0x38;
	[tilespmem:$0x1BC28] =	vst v63  }
0x1e9: {  	_ =	swait.ge [sflag:s5], $0x3200  }
0x1ea: {  	[sflag:s5] =	ssyncset.done $0x0  }
0x1eb: {  	[sflag:s5] =	ssyncadd.s32 $0xFFFFCE00  }
0x1ec: {  	[tilespmem:s18], [sflag:$0x5] =	stream.linear.gather [hbm4b:s13+s2], $0x3200, $0x38;
	[tilespmem:$0x1BC28] =	vst v63  }
0x1ed: {  	_ =	swait.ge [sflag:s15], $0x3200  }
0x1ee: {  	[sflag:s15] =	ssyncset.done $0x0  }
0x1ef: {  	[sflag:s15] =	ssyncadd.s32 $0xFFFFCE00  }
0x1f0: {  	[tilespmem:s8], [sflag:$0x2] =	stream.indirect.gather [spmem:s3], $0x1, s18, s16, $0xb8;
	[tilespmem:$0x1BC28] =	vst v63  }
0x1f1: {  	_ =	swait.ge [sflag:s11], $0x3200  }
0x1f2: {  	[sflag:s11] =	ssyncset.done $0x0  }
0x1f3: {  	[sflag:s11] =	ssyncadd.s32 $0xFFFFCE00  }
0x1f4: {  	[hbm4b:s12+s2] =	stream.linear.scatter [tilespmem:s9], [sflag:$0x3], $0x3200, $0x38;
	[tilespmem:$0x1BC28] =	vst v63  }
0x1f5: {  	_ =	swait.ge [sflag:s10], $0x3200  }
0x1f6: {  	[sflag:s10] =	ssyncset.done $0x0  }
0x1f7: {  	[sflag:s10] =	ssyncadd.s32 $0xFFFFCE00  }
0x1f8: {  	[hbm4b:s6+s2] =	stream.linear.scatter [tilespmem:s8], [sflag:$0x4], $0x3200, $0x38;
	[tilespmem:$0x1BC28] =	vst v63  }
0x1f9: {  	_ =	swait.ge [sflag:s7], $0x3200  }
0x1fa: {  	[sflag:s7] =	ssyncset.done $0x0  }
0x1fb: {  	[sflag:s7] =	ssyncadd.s32 $0xFFFFCE00  }
0x1fc: {  	_ =	swait.ge [sflag:s5], $0x3200  }
0x1fd: {  	[sflag:s5] =	ssyncset.done $0x0  }
0x1fe: {  	[sflag:s5] =	ssyncadd.s32 $0xFFFFCE00  }
0x1ff: {  	_ =	sfence.sel $0x180000  }
0x200: {  	[bflag:$0x0] =	sbarrier.arrive $0xFFFF  }
0x201: {  	p0 =	sne.s32 s31, $0x0;
	_ =	strace $0x90000047  }
0x202: {  	s0 =	sadd.s32 @!p0 $0x100000, s28;
	[bflag:$0x2] =	sbarrier.arrive $0xFFFF  }
0x203: {  	[sflag:s0] =	ssyncadd.tile.s32 @!p0 $0x1;
	_ =	shalt  }
.LBB2_1:
.Ltmp3:
0x204: {  	(pc) =	sbr.rel .LBB2_6-.Ltmp3, $2  }
0x205: {  	_ =	sdelay $0x2  }
0x206: {  	s6 =	smov.u32 s4  }
.LBB2_3:
.Ltmp4:
0x207: {  	(pc) =	sbr.rel .LBB2_6-.Ltmp4, $4  }
0x208: {  	s17 =	smov.u32 s14;
	s6 =	smov.u32 s4;
	s28 =	rddreg [dreg:$0x2]  }
0x209: {  	s31 =	stileid.u32;
	s14 =	smov.u32 s19;
	s19 =	smov.u32 s21  }
0x20a: {  	s21 =	smov.u32 s22;
	s22 =	smov.u32 s23;
	s23 =	smov.u32 s24  }
0x20b: {  	s24 =	smov.u32 s25;
	s25 =	smov.u32 s30;
	s30 =	rddreg [dreg:$0x15]  }
.Lfunc_end2:
_tile_overlayer_lowered:
.L_overlay_start_2:
0x20c: {  	(tag) =	ssettag $0x2  }
0x20d: {  	s0 =	rddreg [dreg:$0x0];
	s2 =	stileid.u32  }
0x20e: {  	s1 =	rddreg [dreg:$0x1];
	p0 =	sne.s32 s2, $0x0  }
0x20f: {  	s3 =	rddreg [dreg:$0x2];
	[bflag:$0x3] =	sbarrier.arrive $0xFFFF;
	s2 =	simm.s32 @!p0 $0x1C05  }
0x210: {  	[timem:s3], [sflag:s2] =	dma.local @!p0 [hbm:s0], s1  }
0x211: {  	s0 =	simm.s32 @!p0 $0x5  }
0x212: {  	_ =	swait.ge @!p0 [sflag:s0], s1  }
0x213: {  	s1 =	ssub.s32 @!p0 $0x0, s1;
	[sflag:s0] =	ssyncset.done @!p0 $0x0  }
0x214: {  	[sflag:s0] =	ssyncadd.s32 @!p0 s1  }
0x215: {  	[bflag:$0x3] =	sbarrier.arrive $0xFFFF  }
0x216: {  	_ =	shalt  }

</sc_bundles>
